<compile_context>
chip_gen: v7x
topology: tpu7x:2x2x1
jax: 0.10.2.dev20260603
libtpu: 0.0.44.dev20260713+nightly
codegen_flags: <defaults>
</compile_context>

<pallas_src>
import functools

import jax
import jax.numpy as jnp
from jax import lax
from jax.experimental import pallas as pl
from jax.experimental.pallas import tpu as pltpu
from jax.experimental.pallas import tpu_sc as plsc

_NC = 2
_NS = 16


def _pad_rows(a, np_rows):
    return jnp.pad(a, ((0, np_rows - a.shape[0]), (0, 0)))


def _make_agg(NP, D, E):
    NW = _NC * _NS
    assert E % NW == 0
    epw = E // NW
    K = 80
    assert epw % K == 0 and K % 8 == 0
    C = epw // K
    assert NP % (_NS * 8) == 0
    rpt = NP // _NS
    mesh = plsc.VectorSubcoreMesh(core_axis_name="c", subcore_axis_name="s")

    @functools.partial(
        pl.kernel,
        mesh=mesh,
        out_type=jax.ShapeDtypeStruct((_NC * NP, D), jnp.float32),
        scratch_types=[
            pltpu.VMEM((K,), jnp.int32),
            pltpu.VMEM((K,), jnp.int32),
            pltpu.VMEM((K, D), jnp.float32),
            pltpu.VMEM_SHARED((NP, D), jnp.float32),
            pltpu.SemaphoreType.DMA,
        ],
    )
    def agg(table, srcv, dstv, out, sidx, didx, rows, acc, sem):
        c = lax.axis_index("c")
        s = lax.axis_index("s")
        pltpu.sync_copy(table.at[pl.ds(s * rpt, rpt)], acc.at[pl.ds(s * rpt, rpt)])
        plsc.subcore_barrier()
        base = (c * _NS + s) * epw

        def body(j, carry):
            off = base + j * K
            pltpu.sync_copy(srcv.at[pl.ds(off, K)], sidx)
            pltpu.sync_copy(dstv.at[pl.ds(off, K)], didx)
            pltpu.async_copy(table.at[sidx], rows, sem).wait()
            pltpu.sync_copy(rows, acc.at[didx], add=True)
            return carry

        lax.fori_loop(0, C, body, 0)
        plsc.subcore_barrier()
        pltpu.sync_copy(acc.at[pl.ds(s * rpt, rpt)],
                        out.at[pl.ds(c * NP + s * rpt, rpt)])

    return agg


def _make_deg(NP, D, E):
    NW = _NC * _NS
    assert E % NW == 0
    epw = E // NW
    K = 80
    assert epw % K == 0 and K % 8 == 0
    C = epw // K
    assert NP % (_NS * 8) == 0
    rpt = NP // _NS
    mesh = plsc.VectorSubcoreMesh(core_axis_name="c", subcore_axis_name="s")

    @functools.partial(
        pl.kernel,
        mesh=mesh,
        out_type=jax.ShapeDtypeStruct((_NC * NP, D), jnp.float32),
        scratch_types=[
            pltpu.VMEM((K,), jnp.int32),
            pltpu.VMEM((K, D), jnp.float32),
            pltpu.VMEM_SHARED((NP, D), jnp.float32),
            pltpu.SemaphoreType.DMA,
        ],
    )
    def deg(table, dstv, out, didx, rows, acc, sem):
        c = lax.axis_index("c")
        s = lax.axis_index("s")
        pltpu.sync_copy(table.at[pl.ds(s * rpt, rpt)], acc.at[pl.ds(s * rpt, rpt)])
        pltpu.sync_copy(table.at[pl.ds(0, K)], rows)
        plsc.subcore_barrier()
        base = (c * _NS + s) * epw

        def body(j, carry):
            pltpu.sync_copy(dstv.at[pl.ds(base + j * K, K)], didx)
            pltpu.sync_copy(rows, acc.at[didx], add=True)
            return carry

        lax.fori_loop(0, C, body, 0)
        plsc.subcore_barrier()
        pltpu.sync_copy(acc.at[pl.ds(s * rpt, rpt)],
                        out.at[pl.ds(c * NP + s * rpt, rpt)])

    return deg


def _prep_body(d0, d1, x, g, dis):
    deg = d0[...] + d1[...] - 1.0
    r = lax.rsqrt(deg)
    dis[...] = r
    g[...] = x[...] * r[:, 0:1]


def _mid_body(a0, a1, g, dis, w1, b1, w2, q):
    r = dis[...][:, 0:1]
    m = (a0[...] + a1[...] - g[...]) * r
    h = jnp.maximum(jnp.dot(m, w1[...], preferred_element_type=jnp.float32)
                    + b1[...], 0.0)
    p = jnp.dot(h, w2[...], preferred_element_type=jnp.float32)
    q[...] = p * r


def _final_body(a0, a1, q, dis, b2, o):
    z = (a0[...] + a1[...] - q[...]) * dis[...][:, 0:1] + b2[...]
    zmax = jnp.max(z, axis=1, keepdims=True)
    e = jnp.exp(z - zmax)
    o[...] = z - zmax - jnp.log(jnp.sum(e, axis=1, keepdims=True))


def kernel(x, block, W1, b1, W2, b2):
    N, F_IN = x.shape
    F_HID = W1.shape[1]
    F_OUT = W2.shape[1]
    E = block.shape[1]
    src = block[0].astype(jnp.int32)
    dst = block[1].astype(jnp.int32)
    NP = -(-N // (_NS * 8)) * (_NS * 8)

    B = 1000
    assert N % B == 0
    grid = (N // B,)
    row = lambda i: (i, 0)
    full = lambda i: (0, 0)

    ones8 = jnp.ones((NP, 8), jnp.float32)
    degp = _make_deg(NP, 8, E)(ones8, dst)

    g, dis = pl.pallas_call(
        _prep_body,
        grid=grid,
        in_specs=[pl.BlockSpec((B, 8), row), pl.BlockSpec((B, 8), row),
                  pl.BlockSpec((B, F_IN), row)],
        out_specs=[pl.BlockSpec((B, F_IN), row), pl.BlockSpec((B, 8), row)],
        out_shape=[jax.ShapeDtypeStruct((N, F_IN), jnp.float32),
                   jax.ShapeDtypeStruct((N, 8), jnp.float32)],
    )(degp[:N], degp[NP:NP + N], x)

    a = _make_agg(NP, F_IN, E)(_pad_rows(g, NP), src, dst)

    q = pl.pallas_call(
        _mid_body,
        grid=grid,
        in_specs=[pl.BlockSpec((B, F_IN), row), pl.BlockSpec((B, F_IN), row),
                  pl.BlockSpec((B, F_IN), row), pl.BlockSpec((B, 8), row),
                  pl.BlockSpec((F_IN, F_HID), full),
                  pl.BlockSpec((1, F_HID), full),
                  pl.BlockSpec((F_HID, F_OUT), full)],
        out_specs=pl.BlockSpec((B, F_OUT), row),
        out_shape=jax.ShapeDtypeStruct((N, F_OUT), jnp.float32),
    )(a[:N], a[NP:NP + N], g, dis, W1, b1.reshape(1, F_HID), W2)

    qp = jnp.pad(q, ((0, NP - N), (0, F_IN - F_OUT)))
    a2 = _make_agg(NP, F_IN, E)(qp, src, dst)

    out = pl.pallas_call(
        _final_body,
        grid=grid,
        in_specs=[pl.BlockSpec((B, F_OUT), row), pl.BlockSpec((B, F_OUT), row),
                  pl.BlockSpec((B, F_OUT), row), pl.BlockSpec((B, 8), row),
                  pl.BlockSpec((1, F_OUT), full)],
        out_specs=pl.BlockSpec((B, F_OUT), row),
        out_shape=jax.ShapeDtypeStruct((N, F_OUT), jnp.float32),
    )(a2[:N, :F_OUT], a2[NP:NP + N, :F_OUT], q, dis, b2.reshape(1, F_OUT))

    return out

# --- scband reference (transcript-rebuilt; emitter-appended) ---
"""Pipeline reference for scband-gcn-31490700214329 (READ-ONLY COPY).

The authoritative reference and input builder live on the scoring server;
editing this copy changes nothing except your own understanding.
"""

import jax, jax.numpy as jnp
import numpy as np

N = 10000
E = 320000
F_IN = 128
F_HID = 256
F_OUT = 64


def _glorot(key, shape):
    limit = np.sqrt(6.0 / (shape[0] + shape[1]))
    return jax.random.uniform(key, shape, minval=-limit, maxval=limit, dtype=jnp.float32)


def setup_inputs(seed: int = 0) -> dict:
    key = jax.random.key(seed)
    k1, k2, k3, k4 = jax.random.split(key, 4)
    x = jax.random.normal(k1, (N, F_IN), dtype=jnp.float32)
    # int64 per spec; jax without x64 stores int32, which is fine for N=10000
    block = jax.random.randint(k2, (2, E), 0, N, dtype=jnp.int32)
    W1 = _glorot(k3, (F_IN, F_HID))
    b1 = jnp.zeros((F_HID,), dtype=jnp.float32)
    W2 = _glorot(k4, (F_HID, F_OUT))
    b2 = jnp.zeros((F_OUT,), dtype=jnp.float32)
    return {"x": x, "block": block, "W1": W1, "b1": b1, "W2": W2, "b2": b2}


def _gcn_conv(x, edge_index, W, b, num_nodes):
    # PyG GCNConv: add self loops, symmetric normalization, propagate, bias
    src = edge_index[0]
    dst = edge_index[1]
    loop = jnp.arange(num_nodes, dtype=src.dtype)
    src = jnp.concatenate([src, loop])
    dst = jnp.concatenate([dst, loop])
    ones = jnp.ones(src.shape[0], dtype=x.dtype)
    deg = jnp.zeros((num_nodes,), dtype=x.dtype).at[dst].add(ones)
    deg_inv_sqrt = jnp.where(deg > 0, jax.lax.rsqrt(jnp.maximum(deg, 1e-12)), 0.0)
    norm = deg_inv_sqrt[src] * deg_inv_sqrt[dst]
    h = x @ W
    msg = h[src] * norm[:, None]  # gather
    out = jnp.zeros((num_nodes, h.shape[1]), dtype=x.dtype).at[dst].add(msg)  # scatter-add
    return out + b


def reference(x, block, W1, b1, W2, b2):
    # layer 1
    h = _gcn_conv(x, block, W1, b1, N)
    h = jax.nn.relu(h)
    # F.dropout is identity at inference (training=False)
    # layer 2 (final)
    h = _gcn_conv(h, block, W2, b2, N)
    return jax.nn.log_softmax(h, axis=1)

if __name__ == "__main__":
    import jax
    _d = setup_inputs()
    print(jax.jit(kernel)(*tuple(_d.values())))

</pallas_src>

<mosaic_0001>
#map = affine_map<(d0, d1) -> (0, 0)>
#map1 = affine_map<(d0, d1) -> (0)>
module attributes {stable_mosaic.version = 14 : i64} {
  func.func @agg(%arg0: i32, %arg1: i32, %arg2: memref<10112x128xf32, #tpu.memory_space<hbm>>, %arg3: memref<320000xi32, #tpu.memory_space<hbm>>, %arg4: memref<320000xi32, #tpu.memory_space<hbm>>, %arg5: memref<20224x128xf32, #tpu.memory_space<hbm>>, %arg6: memref<80xi32, #tpu.memory_space<vmem>>, %arg7: memref<80xi32, #tpu.memory_space<vmem>>, %arg8: memref<80x128xf32, #tpu.memory_space<vmem>>, %arg9: memref<10112x128xf32, #tpu.memory_space<vmem_shared>>, %arg10: memref<!tpu.dma_semaphore, #tpu.memory_space<semaphore_mem>>) attributes {dimension_semantics = [#tpu.dimension_semantics<core_parallel>, #tpu.dimension_semantics<subcore_parallel>], iteration_bounds = array<i64: 2, 16>, scalar_prefetch = 0 : i64, scratch_operands = 5 : i64, tpu.core_type = #tpu.core_type<sc_vector_subcore>, window_params = [{transform_indices = #map}, {transform_indices = #map1}, {transform_indices = #map1}, {transform_indices = #map}]} {
    %mul3A = arith.constant 632 : i32
    %mul3A_0 = arith.muli %arg1, %mul3A : i32
    %mul3A_1 = arith.constant 632 : i32
    %mul3A_2 = arith.muli %arg1, %mul3A_1 : i32
    "tpu.region"() ({
      %run_scoped3A = tpu.sem_alloc : memref<!tpu.dma_semaphore, #tpu.memory_space<semaphore_mem>>
      %dma_start3A = arith.constant 0 : i32
      %dma_start3A_20 = tpu.memref_slice %arg9[%mul3A_2, %dma_start3A] : memref<10112x128xf32, #tpu.memory_space<vmem_shared>> -> memref<632x128xf32, #tpu.memory_space<vmem_shared>>
      %dma_start3A_21 = arith.constant 0 : i32
      %dma_start3A_22 = tpu.memref_slice %arg2[%mul3A_0, %dma_start3A_21] : memref<10112x128xf32, #tpu.memory_space<hbm>> -> memref<632x128xf32, #tpu.memory_space<hbm>>
      tpu.enqueue_dma source(%dma_start3A_22 : memref<632x128xf32, #tpu.memory_space<hbm>>) target(%dma_start3A_20 : memref<632x128xf32, #tpu.memory_space<vmem_shared>>) target_semaphore(%run_scoped3A : memref<!tpu.dma_semaphore, #tpu.memory_space<semaphore_mem>>)
      %dma_wait3A = arith.constant 0 : i32
      %dma_wait3A_23 = tpu.memref_slice %arg9[%mul3A_2, %dma_wait3A] : memref<10112x128xf32, #tpu.memory_space<vmem_shared>> -> memref<632x128xf32, #tpu.memory_space<vmem_shared>>
      %dma_wait3A_24 = arith.constant 0 : i32
      %dma_wait3A_25 = tpu.memref_slice %arg2[%mul3A_0, %dma_wait3A_24] : memref<10112x128xf32, #tpu.memory_space<hbm>> -> memref<632x128xf32, #tpu.memory_space<hbm>>
      tpu.wait_dma2 semaphore(%run_scoped3A : memref<!tpu.dma_semaphore, #tpu.memory_space<semaphore_mem>>) src(%dma_wait3A_25 : memref<632x128xf32, #tpu.memory_space<hbm>>) dst(%dma_wait3A_23 : memref<632x128xf32, #tpu.memory_space<vmem_shared>>)
      tpu.yield
    }) : () -> ()
    %barrier3A = arith.constant 0 : index
    tpu.barrier barrier_id(%barrier3A)
    %mul3A_3 = arith.constant 16 : i32
    %mul3A_4 = arith.muli %arg0, %mul3A_3 : i32
    %add3A = arith.addi %mul3A_4, %arg1 : i32
    %mul3A_5 = arith.constant 10000 : i32
    %mul3A_6 = arith.muli %add3A, %mul3A_5 : i32
    %scan3A = arith.constant 0 : i32
    %scan3A_7 = arith.constant 0 : i32
    %scan3A_8 = arith.constant 125 : i32
    %scan3A_9 = arith.addi %scan3A_7, %scan3A_8 : i32
    %scan3A_10 = arith.constant 1 : i32
    scf.for %scan3A_20 = %scan3A_7 to %scan3A_9 step %scan3A_10  : i32 {
      %mul3A_21 = arith.constant 80 : i32
      %mul3A_22 = arith.muli %scan3A_20, %mul3A_21 : i32
      %add3A_23 = arith.addi %mul3A_6, %mul3A_22 : i32
      "tpu.region"() ({
        %run_scoped3A = tpu.sem_alloc : memref<!tpu.dma_semaphore, #tpu.memory_space<semaphore_mem>>
        %dma_start3A_28 = tpu.memref_slice %arg3[%add3A_23] : memref<320000xi32, #tpu.memory_space<hbm>> -> memref<80xi32, #tpu.memory_space<hbm>>
        %dma_start3A_29 = tpu.memref_slice %arg3[%add3A_23] : memref<320000xi32, #tpu.memory_space<hbm>> -> memref<80xi32, #tpu.memory_space<hbm>>
        tpu.enqueue_dma source(%dma_start3A_29 : memref<80xi32, #tpu.memory_space<hbm>>) target(%arg6 : memref<80xi32, #tpu.memory_space<vmem>>) target_semaphore(%run_scoped3A : memref<!tpu.dma_semaphore, #tpu.memory_space<semaphore_mem>>)
        %dma_wait3A_30 = tpu.memref_slice %arg3[%add3A_23] : memref<320000xi32, #tpu.memory_space<hbm>> -> memref<80xi32, #tpu.memory_space<hbm>>
        %dma_wait3A_31 = tpu.memref_slice %arg3[%add3A_23] : memref<320000xi32, #tpu.memory_space<hbm>> -> memref<80xi32, #tpu.memory_space<hbm>>
        tpu.wait_dma2 semaphore(%run_scoped3A : memref<!tpu.dma_semaphore, #tpu.memory_space<semaphore_mem>>) src(%dma_wait3A_31 : memref<80xi32, #tpu.memory_space<hbm>>) dst(%arg6 : memref<80xi32, #tpu.memory_space<vmem>>)
        tpu.yield
      }) : () -> ()
      "tpu.region"() ({
        %run_scoped3A = tpu.sem_alloc : memref<!tpu.dma_semaphore, #tpu.memory_space<semaphore_mem>>
        %dma_start3A_28 = tpu.memref_slice %arg4[%add3A_23] : memref<320000xi32, #tpu.memory_space<hbm>> -> memref<80xi32, #tpu.memory_space<hbm>>
        %dma_start3A_29 = tpu.memref_slice %arg4[%add3A_23] : memref<320000xi32, #tpu.memory_space<hbm>> -> memref<80xi32, #tpu.memory_space<hbm>>
        tpu.enqueue_dma source(%dma_start3A_29 : memref<80xi32, #tpu.memory_space<hbm>>) target(%arg7 : memref<80xi32, #tpu.memory_space<vmem>>) target_semaphore(%run_scoped3A : memref<!tpu.dma_semaphore, #tpu.memory_space<semaphore_mem>>)
        %dma_wait3A_30 = tpu.memref_slice %arg4[%add3A_23] : memref<320000xi32, #tpu.memory_space<hbm>> -> memref<80xi32, #tpu.memory_space<hbm>>
        %dma_wait3A_31 = tpu.memref_slice %arg4[%add3A_23] : memref<320000xi32, #tpu.memory_space<hbm>> -> memref<80xi32, #tpu.memory_space<hbm>>
        tpu.wait_dma2 semaphore(%run_scoped3A : memref<!tpu.dma_semaphore, #tpu.memory_space<semaphore_mem>>) src(%dma_wait3A_31 : memref<80xi32, #tpu.memory_space<hbm>>) dst(%arg7 : memref<80xi32, #tpu.memory_space<vmem>>)
        tpu.yield
      }) : () -> ()
      %dma_start3A = arith.constant 0 : i32
      %dma_start3A_24 = arith.constant 0 : i32
      %dma_start3A_25 = tpu.memref_slice %arg2[%dma_start3A, %dma_start3A_24] : memref<10112x128xf32, #tpu.memory_space<hbm>> -> memref<10112x128xf32, #tpu.memory_space<hbm>>
      tpu.enqueue_indirect_dma source(%dma_start3A_25 : memref<10112x128xf32, #tpu.memory_space<hbm>>) target(%arg8 : memref<80x128xf32, #tpu.memory_space<vmem>>) offsets(%arg6 : memref<80xi32, #tpu.memory_space<vmem>>) semaphore(%arg10 : memref<!tpu.dma_semaphore, #tpu.memory_space<semaphore_mem>>)
      %dma_wait3A = arith.constant 0 : i32
      %dma_wait3A_26 = arith.constant 0 : i32
      %dma_wait3A_27 = tpu.memref_slice %arg2[%dma_wait3A, %dma_wait3A_26] : memref<10112x128xf32, #tpu.memory_space<hbm>> -> memref<10112x128xf32, #tpu.memory_space<hbm>>
      tpu.wait_indirect_dma semaphore(%arg10 : memref<!tpu.dma_semaphore, #tpu.memory_space<semaphore_mem>>) src(%dma_wait3A_27 : memref<10112x128xf32, #tpu.memory_space<hbm>>) dst(%arg8 : memref<80x128xf32, #tpu.memory_space<vmem>>)
      "tpu.region"() ({
        %run_scoped3A = tpu.sem_alloc : memref<!tpu.dma_semaphore, #tpu.memory_space<semaphore_mem>>
        %dma_start3A_28 = arith.constant 0 : i32
        %dma_start3A_29 = arith.constant 0 : i32
        %dma_start3A_30 = tpu.memref_slice %arg9[%dma_start3A_28, %dma_start3A_29] : memref<10112x128xf32, #tpu.memory_space<vmem_shared>> -> memref<10112x128xf32, #tpu.memory_space<vmem_shared>>
        tpu.enqueue_indirect_dma source(%arg8 : memref<80x128xf32, #tpu.memory_space<vmem>>) target(%dma_start3A_30 : memref<10112x128xf32, #tpu.memory_space<vmem_shared>>) offsets(%arg7 : memref<80xi32, #tpu.memory_space<vmem>>) semaphore(%run_scoped3A : memref<!tpu.dma_semaphore, #tpu.memory_space<semaphore_mem>>) {add = true}
        %dma_wait3A_31 = arith.constant 0 : i32
        %dma_wait3A_32 = arith.constant 0 : i32
        %dma_wait3A_33 = tpu.memref_slice %arg9[%dma_wait3A_31, %dma_wait3A_32] : memref<10112x128xf32, #tpu.memory_space<vmem_shared>> -> memref<10112x128xf32, #tpu.memory_space<vmem_shared>>
        tpu.wait_indirect_dma semaphore(%run_scoped3A : memref<!tpu.dma_semaphore, #tpu.memory_space<semaphore_mem>>) src(%arg8 : memref<80x128xf32, #tpu.memory_space<vmem>>) dst(%dma_wait3A_33 : memref<10112x128xf32, #tpu.memory_space<vmem_shared>>)
        tpu.yield
      }) : () -> ()
    }
    %scan3A_11 = arith.constant 125 : i32
    %barrier3A_12 = arith.constant 0 : index
    tpu.barrier barrier_id(%barrier3A_12)
    %mul3A_13 = arith.constant 632 : i32
    %mul3A_14 = arith.muli %arg1, %mul3A_13 : i32
    %mul3A_15 = arith.constant 10112 : i32
    %mul3A_16 = arith.muli %arg0, %mul3A_15 : i32
    %mul3A_17 = arith.constant 632 : i32
    %mul3A_18 = arith.muli %arg1, %mul3A_17 : i32
    %add3A_19 = arith.addi %mul3A_16, %mul3A_18 : i32
    "tpu.region"() ({
      %run_scoped3A = tpu.sem_alloc : memref<!tpu.dma_semaphore, #tpu.memory_space<semaphore_mem>>
      %dma_start3A = arith.constant 0 : i32
      %dma_start3A_20 = tpu.memref_slice %arg5[%add3A_19, %dma_start3A] : memref<20224x128xf32, #tpu.memory_space<hbm>> -> memref<632x128xf32, #tpu.memory_space<hbm>>
      %dma_start3A_21 = arith.constant 0 : i32
      %dma_start3A_22 = tpu.memref_slice %arg9[%mul3A_14, %dma_start3A_21] : memref<10112x128xf32, #tpu.memory_space<vmem_shared>> -> memref<632x128xf32, #tpu.memory_space<vmem_shared>>
      tpu.enqueue_dma source(%dma_start3A_22 : memref<632x128xf32, #tpu.memory_space<vmem_shared>>) target(%dma_start3A_20 : memref<632x128xf32, #tpu.memory_space<hbm>>) target_semaphore(%run_scoped3A : memref<!tpu.dma_semaphore, #tpu.memory_space<semaphore_mem>>)
      %dma_wait3A = arith.constant 0 : i32
      %dma_wait3A_23 = tpu.memref_slice %arg5[%add3A_19, %dma_wait3A] : memref<20224x128xf32, #tpu.memory_space<hbm>> -> memref<632x128xf32, #tpu.memory_space<hbm>>
      %dma_wait3A_24 = arith.constant 0 : i32
      %dma_wait3A_25 = tpu.memref_slice %arg9[%mul3A_14, %dma_wait3A_24] : memref<10112x128xf32, #tpu.memory_space<vmem_shared>> -> memref<632x128xf32, #tpu.memory_space<vmem_shared>>
      tpu.wait_dma2 semaphore(%run_scoped3A : memref<!tpu.dma_semaphore, #tpu.memory_space<semaphore_mem>>) src(%dma_wait3A_25 : memref<632x128xf32, #tpu.memory_space<vmem_shared>>) dst(%dma_wait3A_23 : memref<632x128xf32, #tpu.memory_space<hbm>>)
      tpu.yield
    }) : () -> ()
    return
  }
}

#map = affine_map<(d0, d1) -> (0, 0)>
#map1 = affine_map<(d0, d1) -> (0)>
module attributes {stable_mosaic.version = 14 : i64} {
  func.func @deg(%arg0: i32, %arg1: i32, %arg2: memref<10112x8xf32, #tpu.memory_space<hbm>>, %arg3: memref<320000xi32, #tpu.memory_space<hbm>>, %arg4: memref<20224x8xf32, #tpu.memory_space<hbm>>, %arg5: memref<80xi32, #tpu.memory_space<vmem>>, %arg6: memref<80x8xf32, #tpu.memory_space<vmem>>, %arg7: memref<10112x8xf32, #tpu.memory_space<vmem_shared>>, %arg8: memref<!tpu.dma_semaphore, #tpu.memory_space<semaphore_mem>>) attributes {dimension_semantics = [#tpu.dimension_semantics<core_parallel>, #tpu.dimension_semantics<subcore_parallel>], iteration_bounds = array<i64: 2, 16>, scalar_prefetch = 0 : i64, scratch_operands = 4 : i64, tpu.core_type = #tpu.core_type<sc_vector_subcore>, window_params = [{transform_indices = #map}, {transform_indices = #map1}, {transform_indices = #map}]} {
    %mul3A = arith.constant 632 : i32
    %mul3A_0 = arith.muli %arg1, %mul3A : i32
    %mul3A_1 = arith.constant 632 : i32
    %mul3A_2 = arith.muli %arg1, %mul3A_1 : i32
    "tpu.region"() ({
      %run_scoped3A = tpu.sem_alloc : memref<!tpu.dma_semaphore, #tpu.memory_space<semaphore_mem>>
      %dma_start3A = arith.constant 0 : i32
      %dma_start3A_20 = tpu.memref_slice %arg7[%mul3A_2, %dma_start3A] : memref<10112x8xf32, #tpu.memory_space<vmem_shared>> -> memref<632x8xf32, #tpu.memory_space<vmem_shared>>
      %dma_start3A_21 = arith.constant 0 : i32
      %dma_start3A_22 = tpu.memref_slice %arg2[%mul3A_0, %dma_start3A_21] : memref<10112x8xf32, #tpu.memory_space<hbm>> -> memref<632x8xf32, #tpu.memory_space<hbm>>
      tpu.enqueue_dma source(%dma_start3A_22 : memref<632x8xf32, #tpu.memory_space<hbm>>) target(%dma_start3A_20 : memref<632x8xf32, #tpu.memory_space<vmem_shared>>) target_semaphore(%run_scoped3A : memref<!tpu.dma_semaphore, #tpu.memory_space<semaphore_mem>>)
      %dma_wait3A = arith.constant 0 : i32
      %dma_wait3A_23 = tpu.memref_slice %arg7[%mul3A_2, %dma_wait3A] : memref<10112x8xf32, #tpu.memory_space<vmem_shared>> -> memref<632x8xf32, #tpu.memory_space<vmem_shared>>
      %dma_wait3A_24 = arith.constant 0 : i32
      %dma_wait3A_25 = tpu.memref_slice %arg2[%mul3A_0, %dma_wait3A_24] : memref<10112x8xf32, #tpu.memory_space<hbm>> -> memref<632x8xf32, #tpu.memory_space<hbm>>
      tpu.wait_dma2 semaphore(%run_scoped3A : memref<!tpu.dma_semaphore, #tpu.memory_space<semaphore_mem>>) src(%dma_wait3A_25 : memref<632x8xf32, #tpu.memory_space<hbm>>) dst(%dma_wait3A_23 : memref<632x8xf32, #tpu.memory_space<vmem_shared>>)
      tpu.yield
    }) : () -> ()
    "tpu.region"() ({
      %run_scoped3A = tpu.sem_alloc : memref<!tpu.dma_semaphore, #tpu.memory_space<semaphore_mem>>
      %dma_start3A = arith.constant 0 : i32
      %dma_start3A_20 = arith.constant 0 : i32
      %dma_start3A_21 = tpu.memref_slice %arg2[%dma_start3A, %dma_start3A_20] : memref<10112x8xf32, #tpu.memory_space<hbm>> -> memref<80x8xf32, #tpu.memory_space<hbm>>
      %dma_start3A_22 = arith.constant 0 : i32
      %dma_start3A_23 = arith.constant 0 : i32
      %dma_start3A_24 = tpu.memref_slice %arg2[%dma_start3A_22, %dma_start3A_23] : memref<10112x8xf32, #tpu.memory_space<hbm>> -> memref<80x8xf32, #tpu.memory_space<hbm>>
      tpu.enqueue_dma source(%dma_start3A_24 : memref<80x8xf32, #tpu.memory_space<hbm>>) target(%arg6 : memref<80x8xf32, #tpu.memory_space<vmem>>) target_semaphore(%run_scoped3A : memref<!tpu.dma_semaphore, #tpu.memory_space<semaphore_mem>>)
      %dma_wait3A = arith.constant 0 : i32
      %dma_wait3A_25 = arith.constant 0 : i32
      %dma_wait3A_26 = tpu.memref_slice %arg2[%dma_wait3A, %dma_wait3A_25] : memref<10112x8xf32, #tpu.memory_space<hbm>> -> memref<80x8xf32, #tpu.memory_space<hbm>>
      %dma_wait3A_27 = arith.constant 0 : i32
      %dma_wait3A_28 = arith.constant 0 : i32
      %dma_wait3A_29 = tpu.memref_slice %arg2[%dma_wait3A_27, %dma_wait3A_28] : memref<10112x8xf32, #tpu.memory_space<hbm>> -> memref<80x8xf32, #tpu.memory_space<hbm>>
      tpu.wait_dma2 semaphore(%run_scoped3A : memref<!tpu.dma_semaphore, #tpu.memory_space<semaphore_mem>>) src(%dma_wait3A_29 : memref<80x8xf32, #tpu.memory_space<hbm>>) dst(%arg6 : memref<80x8xf32, #tpu.memory_space<vmem>>)
      tpu.yield
    }) : () -> ()
    %barrier3A = arith.constant 0 : index
    tpu.barrier barrier_id(%barrier3A)
    %mul3A_3 = arith.constant 16 : i32
    %mul3A_4 = arith.muli %arg0, %mul3A_3 : i32
    %add3A = arith.addi %mul3A_4, %arg1 : i32
    %mul3A_5 = arith.constant 10000 : i32
    %mul3A_6 = arith.muli %add3A, %mul3A_5 : i32
    %scan3A = arith.constant 0 : i32
    %scan3A_7 = arith.constant 0 : i32
    %scan3A_8 = arith.constant 125 : i32
    %scan3A_9 = arith.addi %scan3A_7, %scan3A_8 : i32
    %scan3A_10 = arith.constant 1 : i32
    scf.for %scan3A_20 = %scan3A_7 to %scan3A_9 step %scan3A_10  : i32 {
      %mul3A_21 = arith.constant 80 : i32
      %mul3A_22 = arith.muli %scan3A_20, %mul3A_21 : i32
      %add3A_23 = arith.addi %mul3A_6, %mul3A_22 : i32
      "tpu.region"() ({
        %run_scoped3A = tpu.sem_alloc : memref<!tpu.dma_semaphore, #tpu.memory_space<semaphore_mem>>
        %dma_start3A = tpu.memref_slice %arg3[%add3A_23] : memref<320000xi32, #tpu.memory_space<hbm>> -> memref<80xi32, #tpu.memory_space<hbm>>
        %dma_start3A_24 = tpu.memref_slice %arg3[%add3A_23] : memref<320000xi32, #tpu.memory_space<hbm>> -> memref<80xi32, #tpu.memory_space<hbm>>
        tpu.enqueue_dma source(%dma_start3A_24 : memref<80xi32, #tpu.memory_space<hbm>>) target(%arg5 : memref<80xi32, #tpu.memory_space<vmem>>) target_semaphore(%run_scoped3A : memref<!tpu.dma_semaphore, #tpu.memory_space<semaphore_mem>>)
        %dma_wait3A = tpu.memref_slice %arg3[%add3A_23] : memref<320000xi32, #tpu.memory_space<hbm>> -> memref<80xi32, #tpu.memory_space<hbm>>
        %dma_wait3A_25 = tpu.memref_slice %arg3[%add3A_23] : memref<320000xi32, #tpu.memory_space<hbm>> -> memref<80xi32, #tpu.memory_space<hbm>>
        tpu.wait_dma2 semaphore(%run_scoped3A : memref<!tpu.dma_semaphore, #tpu.memory_space<semaphore_mem>>) src(%dma_wait3A_25 : memref<80xi32, #tpu.memory_space<hbm>>) dst(%arg5 : memref<80xi32, #tpu.memory_space<vmem>>)
        tpu.yield
      }) : () -> ()
      "tpu.region"() ({
        %run_scoped3A = tpu.sem_alloc : memref<!tpu.dma_semaphore, #tpu.memory_space<semaphore_mem>>
        %dma_start3A = arith.constant 0 : i32
        %dma_start3A_24 = arith.constant 0 : i32
        %dma_start3A_25 = tpu.memref_slice %arg7[%dma_start3A, %dma_start3A_24] : memref<10112x8xf32, #tpu.memory_space<vmem_shared>> -> memref<10112x8xf32, #tpu.memory_space<vmem_shared>>
        tpu.enqueue_indirect_dma source(%arg6 : memref<80x8xf32, #tpu.memory_space<vmem>>) target(%dma_start3A_25 : memref<10112x8xf32, #tpu.memory_space<vmem_shared>>) offsets(%arg5 : memref<80xi32, #tpu.memory_space<vmem>>) semaphore(%run_scoped3A : memref<!tpu.dma_semaphore, #tpu.memory_space<semaphore_mem>>) {add = true}
        %dma_wait3A = arith.constant 0 : i32
        %dma_wait3A_26 = arith.constant 0 : i32
        %dma_wait3A_27 = tpu.memref_slice %arg7[%dma_wait3A, %dma_wait3A_26] : memref<10112x8xf32, #tpu.memory_space<vmem_shared>> -> memref<10112x8xf32, #tpu.memory_space<vmem_shared>>
        tpu.wait_indirect_dma semaphore(%run_scoped3A : memref<!tpu.dma_semaphore, #tpu.memory_space<semaphore_mem>>) src(%arg6 : memref<80x8xf32, #tpu.memory_space<vmem>>) dst(%dma_wait3A_27 : memref<10112x8xf32, #tpu.memory_space<vmem_shared>>)
        tpu.yield
      }) : () -> ()
    }
    %scan3A_11 = arith.constant 125 : i32
    %barrier3A_12 = arith.constant 0 : index
    tpu.barrier barrier_id(%barrier3A_12)
    %mul3A_13 = arith.constant 632 : i32
    %mul3A_14 = arith.muli %arg1, %mul3A_13 : i32
    %mul3A_15 = arith.constant 10112 : i32
    %mul3A_16 = arith.muli %arg0, %mul3A_15 : i32
    %mul3A_17 = arith.constant 632 : i32
    %mul3A_18 = arith.muli %arg1, %mul3A_17 : i32
    %add3A_19 = arith.addi %mul3A_16, %mul3A_18 : i32
    "tpu.region"() ({
      %run_scoped3A = tpu.sem_alloc : memref<!tpu.dma_semaphore, #tpu.memory_space<semaphore_mem>>
      %dma_start3A = arith.constant 0 : i32
      %dma_start3A_20 = tpu.memref_slice %arg4[%add3A_19, %dma_start3A] : memref<20224x8xf32, #tpu.memory_space<hbm>> -> memref<632x8xf32, #tpu.memory_space<hbm>>
      %dma_start3A_21 = arith.constant 0 : i32
      %dma_start3A_22 = tpu.memref_slice %arg7[%mul3A_14, %dma_start3A_21] : memref<10112x8xf32, #tpu.memory_space<vmem_shared>> -> memref<632x8xf32, #tpu.memory_space<vmem_shared>>
      tpu.enqueue_dma source(%dma_start3A_22 : memref<632x8xf32, #tpu.memory_space<vmem_shared>>) target(%dma_start3A_20 : memref<632x8xf32, #tpu.memory_space<hbm>>) target_semaphore(%run_scoped3A : memref<!tpu.dma_semaphore, #tpu.memory_space<semaphore_mem>>)
      %dma_wait3A = arith.constant 0 : i32
      %dma_wait3A_23 = tpu.memref_slice %arg4[%add3A_19, %dma_wait3A] : memref<20224x8xf32, #tpu.memory_space<hbm>> -> memref<632x8xf32, #tpu.memory_space<hbm>>
      %dma_wait3A_24 = arith.constant 0 : i32
      %dma_wait3A_25 = tpu.memref_slice %arg7[%mul3A_14, %dma_wait3A_24] : memref<10112x8xf32, #tpu.memory_space<vmem_shared>> -> memref<632x8xf32, #tpu.memory_space<vmem_shared>>
      tpu.wait_dma2 semaphore(%run_scoped3A : memref<!tpu.dma_semaphore, #tpu.memory_space<semaphore_mem>>) src(%dma_wait3A_25 : memref<632x8xf32, #tpu.memory_space<vmem_shared>>) dst(%dma_wait3A_23 : memref<632x8xf32, #tpu.memory_space<hbm>>)
      tpu.yield
    }) : () -> ()
    return
  }
}

#map = affine_map<(d0, d1) -> (0, 0)>
#map1 = affine_map<(d0, d1) -> (0)>
module attributes {stable_mosaic.version = 14 : i64} {
  func.func @agg(%arg0: i32, %arg1: i32, %arg2: memref<10112x128xf32, #tpu.memory_space<hbm>>, %arg3: memref<320000xi32, #tpu.memory_space<hbm>>, %arg4: memref<320000xi32, #tpu.memory_space<hbm>>, %arg5: memref<20224x128xf32, #tpu.memory_space<hbm>>, %arg6: memref<80xi32, #tpu.memory_space<vmem>>, %arg7: memref<80xi32, #tpu.memory_space<vmem>>, %arg8: memref<80x128xf32, #tpu.memory_space<vmem>>, %arg9: memref<10112x128xf32, #tpu.memory_space<vmem_shared>>, %arg10: memref<!tpu.dma_semaphore, #tpu.memory_space<semaphore_mem>>) attributes {dimension_semantics = [#tpu.dimension_semantics<core_parallel>, #tpu.dimension_semantics<subcore_parallel>], iteration_bounds = array<i64: 2, 16>, scalar_prefetch = 0 : i64, scratch_operands = 5 : i64, tpu.core_type = #tpu.core_type<sc_vector_subcore>, window_params = [{transform_indices = #map}, {transform_indices = #map1}, {transform_indices = #map1}, {transform_indices = #map}]} {
    %mul3A = arith.constant 632 : i32
    %mul3A_0 = arith.muli %arg1, %mul3A : i32
    %mul3A_1 = arith.constant 632 : i32
    %mul3A_2 = arith.muli %arg1, %mul3A_1 : i32
    "tpu.region"() ({
      %run_scoped3A = tpu.sem_alloc : memref<!tpu.dma_semaphore, #tpu.memory_space<semaphore_mem>>
      %dma_start3A = arith.constant 0 : i32
      %dma_start3A_20 = tpu.memref_slice %arg9[%mul3A_2, %dma_start3A] : memref<10112x128xf32, #tpu.memory_space<vmem_shared>> -> memref<632x128xf32, #tpu.memory_space<vmem_shared>>
      %dma_start3A_21 = arith.constant 0 : i32
      %dma_start3A_22 = tpu.memref_slice %arg2[%mul3A_0, %dma_start3A_21] : memref<10112x128xf32, #tpu.memory_space<hbm>> -> memref<632x128xf32, #tpu.memory_space<hbm>>
      tpu.enqueue_dma source(%dma_start3A_22 : memref<632x128xf32, #tpu.memory_space<hbm>>) target(%dma_start3A_20 : memref<632x128xf32, #tpu.memory_space<vmem_shared>>) target_semaphore(%run_scoped3A : memref<!tpu.dma_semaphore, #tpu.memory_space<semaphore_mem>>)
      %dma_wait3A = arith.constant 0 : i32
      %dma_wait3A_23 = tpu.memref_slice %arg9[%mul3A_2, %dma_wait3A] : memref<10112x128xf32, #tpu.memory_space<vmem_shared>> -> memref<632x128xf32, #tpu.memory_space<vmem_shared>>
      %dma_wait3A_24 = arith.constant 0 : i32
      %dma_wait3A_25 = tpu.memref_slice %arg2[%mul3A_0, %dma_wait3A_24] : memref<10112x128xf32, #tpu.memory_space<hbm>> -> memref<632x128xf32, #tpu.memory_space<hbm>>
      tpu.wait_dma2 semaphore(%run_scoped3A : memref<!tpu.dma_semaphore, #tpu.memory_space<semaphore_mem>>) src(%dma_wait3A_25 : memref<632x128xf32, #tpu.memory_space<hbm>>) dst(%dma_wait3A_23 : memref<632x128xf32, #tpu.memory_space<vmem_shared>>)
      tpu.yield
    }) : () -> ()
    %barrier3A = arith.constant 0 : index
    tpu.barrier barrier_id(%barrier3A)
    %mul3A_3 = arith.constant 16 : i32
    %mul3A_4 = arith.muli %arg0, %mul3A_3 : i32
    %add3A = arith.addi %mul3A_4, %arg1 : i32
    %mul3A_5 = arith.constant 10000 : i32
    %mul3A_6 = arith.muli %add3A, %mul3A_5 : i32
    %scan3A = arith.constant 0 : i32
    %scan3A_7 = arith.constant 0 : i32
    %scan3A_8 = arith.constant 125 : i32
    %scan3A_9 = arith.addi %scan3A_7, %scan3A_8 : i32
    %scan3A_10 = arith.constant 1 : i32
    scf.for %scan3A_20 = %scan3A_7 to %scan3A_9 step %scan3A_10  : i32 {
      %mul3A_21 = arith.constant 80 : i32
      %mul3A_22 = arith.muli %scan3A_20, %mul3A_21 : i32
      %add3A_23 = arith.addi %mul3A_6, %mul3A_22 : i32
      "tpu.region"() ({
        %run_scoped3A = tpu.sem_alloc : memref<!tpu.dma_semaphore, #tpu.memory_space<semaphore_mem>>
        %dma_start3A_28 = tpu.memref_slice %arg3[%add3A_23] : memref<320000xi32, #tpu.memory_space<hbm>> -> memref<80xi32, #tpu.memory_space<hbm>>
        %dma_start3A_29 = tpu.memref_slice %arg3[%add3A_23] : memref<320000xi32, #tpu.memory_space<hbm>> -> memref<80xi32, #tpu.memory_space<hbm>>
        tpu.enqueue_dma source(%dma_start3A_29 : memref<80xi32, #tpu.memory_space<hbm>>) target(%arg6 : memref<80xi32, #tpu.memory_space<vmem>>) target_semaphore(%run_scoped3A : memref<!tpu.dma_semaphore, #tpu.memory_space<semaphore_mem>>)
        %dma_wait3A_30 = tpu.memref_slice %arg3[%add3A_23] : memref<320000xi32, #tpu.memory_space<hbm>> -> memref<80xi32, #tpu.memory_space<hbm>>
        %dma_wait3A_31 = tpu.memref_slice %arg3[%add3A_23] : memref<320000xi32, #tpu.memory_space<hbm>> -> memref<80xi32, #tpu.memory_space<hbm>>
        tpu.wait_dma2 semaphore(%run_scoped3A : memref<!tpu.dma_semaphore, #tpu.memory_space<semaphore_mem>>) src(%dma_wait3A_31 : memref<80xi32, #tpu.memory_space<hbm>>) dst(%arg6 : memref<80xi32, #tpu.memory_space<vmem>>)
        tpu.yield
      }) : () -> ()
      "tpu.region"() ({
        %run_scoped3A = tpu.sem_alloc : memref<!tpu.dma_semaphore, #tpu.memory_space<semaphore_mem>>
        %dma_start3A_28 = tpu.memref_slice %arg4[%add3A_23] : memref<320000xi32, #tpu.memory_space<hbm>> -> memref<80xi32, #tpu.memory_space<hbm>>
        %dma_start3A_29 = tpu.memref_slice %arg4[%add3A_23] : memref<320000xi32, #tpu.memory_space<hbm>> -> memref<80xi32, #tpu.memory_space<hbm>>
        tpu.enqueue_dma source(%dma_start3A_29 : memref<80xi32, #tpu.memory_space<hbm>>) target(%arg7 : memref<80xi32, #tpu.memory_space<vmem>>) target_semaphore(%run_scoped3A : memref<!tpu.dma_semaphore, #tpu.memory_space<semaphore_mem>>)
        %dma_wait3A_30 = tpu.memref_slice %arg4[%add3A_23] : memref<320000xi32, #tpu.memory_space<hbm>> -> memref<80xi32, #tpu.memory_space<hbm>>
        %dma_wait3A_31 = tpu.memref_slice %arg4[%add3A_23] : memref<320000xi32, #tpu.memory_space<hbm>> -> memref<80xi32, #tpu.memory_space<hbm>>
        tpu.wait_dma2 semaphore(%run_scoped3A : memref<!tpu.dma_semaphore, #tpu.memory_space<semaphore_mem>>) src(%dma_wait3A_31 : memref<80xi32, #tpu.memory_space<hbm>>) dst(%arg7 : memref<80xi32, #tpu.memory_space<vmem>>)
        tpu.yield
      }) : () -> ()
      %dma_start3A = arith.constant 0 : i32
      %dma_start3A_24 = arith.constant 0 : i32
      %dma_start3A_25 = tpu.memref_slice %arg2[%dma_start3A, %dma_start3A_24] : memref<10112x128xf32, #tpu.memory_space<hbm>> -> memref<10112x128xf32, #tpu.memory_space<hbm>>
      tpu.enqueue_indirect_dma source(%dma_start3A_25 : memref<10112x128xf32, #tpu.memory_space<hbm>>) target(%arg8 : memref<80x128xf32, #tpu.memory_space<vmem>>) offsets(%arg6 : memref<80xi32, #tpu.memory_space<vmem>>) semaphore(%arg10 : memref<!tpu.dma_semaphore, #tpu.memory_space<semaphore_mem>>)
      %dma_wait3A = arith.constant 0 : i32
      %dma_wait3A_26 = arith.constant 0 : i32
      %dma_wait3A_27 = tpu.memref_slice %arg2[%dma_wait3A, %dma_wait3A_26] : memref<10112x128xf32, #tpu.memory_space<hbm>> -> memref<10112x128xf32, #tpu.memory_space<hbm>>
      tpu.wait_indirect_dma semaphore(%arg10 : memref<!tpu.dma_semaphore, #tpu.memory_space<semaphore_mem>>) src(%dma_wait3A_27 : memref<10112x128xf32, #tpu.memory_space<hbm>>) dst(%arg8 : memref<80x128xf32, #tpu.memory_space<vmem>>)
      "tpu.region"() ({
        %run_scoped3A = tpu.sem_alloc : memref<!tpu.dma_semaphore, #tpu.memory_space<semaphore_mem>>
        %dma_start3A_28 = arith.constant 0 : i32
        %dma_start3A_29 = arith.constant 0 : i32
        %dma_start3A_30 = tpu.memref_slice %arg9[%dma_start3A_28, %dma_start3A_29] : memref<10112x128xf32, #tpu.memory_space<vmem_shared>> -> memref<10112x128xf32, #tpu.memory_space<vmem_shared>>
        tpu.enqueue_indirect_dma source(%arg8 : memref<80x128xf32, #tpu.memory_space<vmem>>) target(%dma_start3A_30 : memref<10112x128xf32, #tpu.memory_space<vmem_shared>>) offsets(%arg7 : memref<80xi32, #tpu.memory_space<vmem>>) semaphore(%run_scoped3A : memref<!tpu.dma_semaphore, #tpu.memory_space<semaphore_mem>>) {add = true}
        %dma_wait3A_31 = arith.constant 0 : i32
        %dma_wait3A_32 = arith.constant 0 : i32
        %dma_wait3A_33 = tpu.memref_slice %arg9[%dma_wait3A_31, %dma_wait3A_32] : memref<10112x128xf32, #tpu.memory_space<vmem_shared>> -> memref<10112x128xf32, #tpu.memory_space<vmem_shared>>
        tpu.wait_indirect_dma semaphore(%run_scoped3A : memref<!tpu.dma_semaphore, #tpu.memory_space<semaphore_mem>>) src(%arg8 : memref<80x128xf32, #tpu.memory_space<vmem>>) dst(%dma_wait3A_33 : memref<10112x128xf32, #tpu.memory_space<vmem_shared>>)
        tpu.yield
      }) : () -> ()
    }
    %scan3A_11 = arith.constant 125 : i32
    %barrier3A_12 = arith.constant 0 : index
    tpu.barrier barrier_id(%barrier3A_12)
    %mul3A_13 = arith.constant 632 : i32
    %mul3A_14 = arith.muli %arg1, %mul3A_13 : i32
    %mul3A_15 = arith.constant 10112 : i32
    %mul3A_16 = arith.muli %arg0, %mul3A_15 : i32
    %mul3A_17 = arith.constant 632 : i32
    %mul3A_18 = arith.muli %arg1, %mul3A_17 : i32
    %add3A_19 = arith.addi %mul3A_16, %mul3A_18 : i32
    "tpu.region"() ({
      %run_scoped3A = tpu.sem_alloc : memref<!tpu.dma_semaphore, #tpu.memory_space<semaphore_mem>>
      %dma_start3A = arith.constant 0 : i32
      %dma_start3A_20 = tpu.memref_slice %arg5[%add3A_19, %dma_start3A] : memref<20224x128xf32, #tpu.memory_space<hbm>> -> memref<632x128xf32, #tpu.memory_space<hbm>>
      %dma_start3A_21 = arith.constant 0 : i32
      %dma_start3A_22 = tpu.memref_slice %arg9[%mul3A_14, %dma_start3A_21] : memref<10112x128xf32, #tpu.memory_space<vmem_shared>> -> memref<632x128xf32, #tpu.memory_space<vmem_shared>>
      tpu.enqueue_dma source(%dma_start3A_22 : memref<632x128xf32, #tpu.memory_space<vmem_shared>>) target(%dma_start3A_20 : memref<632x128xf32, #tpu.memory_space<hbm>>) target_semaphore(%run_scoped3A : memref<!tpu.dma_semaphore, #tpu.memory_space<semaphore_mem>>)
      %dma_wait3A = arith.constant 0 : i32
      %dma_wait3A_23 = tpu.memref_slice %arg5[%add3A_19, %dma_wait3A] : memref<20224x128xf32, #tpu.memory_space<hbm>> -> memref<632x128xf32, #tpu.memory_space<hbm>>
      %dma_wait3A_24 = arith.constant 0 : i32
      %dma_wait3A_25 = tpu.memref_slice %arg9[%mul3A_14, %dma_wait3A_24] : memref<10112x128xf32, #tpu.memory_space<vmem_shared>> -> memref<632x128xf32, #tpu.memory_space<vmem_shared>>
      tpu.wait_dma2 semaphore(%run_scoped3A : memref<!tpu.dma_semaphore, #tpu.memory_space<semaphore_mem>>) src(%dma_wait3A_25 : memref<632x128xf32, #tpu.memory_space<vmem_shared>>) dst(%dma_wait3A_23 : memref<632x128xf32, #tpu.memory_space<hbm>>)
      tpu.yield
    }) : () -> ()
    return
  }
}

module attributes {stable_mosaic.version = 14 : i64} {
  func.func @_prep_body(%arg0: i32, %arg1: memref<1000x8xf32, #tpu.memory_space<vmem>>, %arg2: memref<1000x8xf32, #tpu.memory_space<vmem>>, %arg3: memref<1000x128xf32, #tpu.memory_space<vmem>>, %arg4: memref<1000x128xf32, #tpu.memory_space<vmem>>, %arg5: memref<1000x8xf32, #tpu.memory_space<vmem>>) attributes {dimension_semantics = [#tpu.dimension_semantics<arbitrary>], iteration_bounds = array<i64: 10>, scalar_prefetch = 0 : i64, scratch_operands = 0 : i64, tpu.core_type = #tpu.core_type<tc>, window_params = [{transform_indices = @transform_0, window_bounds = array<i64: 1000, 8>}, {transform_indices = @transform_1, window_bounds = array<i64: 1000, 8>}, {transform_indices = @transform_2, window_bounds = array<i64: 1000, 128>}, {transform_indices = @transform_3, window_bounds = array<i64: 1000, 128>}, {transform_indices = @transform_4, window_bounds = array<i64: 1000, 8>}]} {
    %get3A = arith.constant 0 : index
    %get3A_0 = arith.constant 0 : index
    %get3A_1 = vector.load %arg1[%get3A, %get3A_0] : memref<1000x8xf32, #tpu.memory_space<vmem>>, vector<1000x8xf32>
    %get3A_2 = arith.constant 0 : index
    %get3A_3 = arith.constant 0 : index
    %get3A_4 = vector.load %arg2[%get3A_2, %get3A_3] : memref<1000x8xf32, #tpu.memory_space<vmem>>, vector<1000x8xf32>
    %add3A = arith.addf %get3A_1, %get3A_4 : vector<1000x8xf32>
    %sub3A = arith.constant 1.000000e+00 : f32
    %sub3A_5 = vector.broadcast %sub3A : f32 to vector<1000x8xf32>
    %sub3A_6 = arith.subf %add3A, %sub3A_5 : vector<1000x8xf32>
    %rsqrt3A = math.rsqrt %sub3A_6 : vector<1000x8xf32>
    %swap3A = arith.constant 0 : index
    %swap3A_7 = arith.constant 0 : index
    %swap3A_8 = vector.load %arg5[%swap3A, %swap3A_7] : memref<1000x8xf32, #tpu.memory_space<vmem>>, vector<1000x8xf32>
    tpu.vector_store %arg5[%swap3A, %swap3A_7], %rsqrt3A {strides = array<i32>} : memref<1000x8xf32, #tpu.memory_space<vmem>>, vector<1000x8xf32>,
    %get3A_9 = arith.constant 0 : index
    %get3A_10 = arith.constant 0 : index
    %get3A_11 = vector.load %arg3[%get3A_9, %get3A_10] : memref<1000x128xf32, #tpu.memory_space<vmem>>, vector<1000x128xf32>
    %slice3A = vector.extract_strided_slice %rsqrt3A {offsets = [0, 0], sizes = [1000, 1], strides = [1, 1]} : vector<1000x8xf32> to vector<1000x1xf32>
    %mul3A = vector.broadcast %slice3A : vector<1000x1xf32> to vector<1000x128xf32>
    %mul3A_12 = arith.mulf %get3A_11, %mul3A : vector<1000x128xf32>
    %swap3A_13 = arith.constant 0 : index
    %swap3A_14 = arith.constant 0 : index
    %swap3A_15 = vector.load %arg4[%swap3A_13, %swap3A_14] : memref<1000x128xf32, #tpu.memory_space<vmem>>, vector<1000x128xf32>
    tpu.vector_store %arg4[%swap3A_13, %swap3A_14], %mul3A_12 {strides = array<i32>} : memref<1000x128xf32, #tpu.memory_space<vmem>>, vector<1000x128xf32>,
    return
  }
  func.func @transform_0(%arg0: i32) -> (i32, i32) {
    %c0_i32 = arith.constant 0 : i32
    %c0_i32_0 = arith.constant 0 : i32
    return %arg0, %c0_i32 : i32, i32
  }
  func.func @transform_1(%arg0: i32) -> (i32, i32) {
    %c0_i32 = arith.constant 0 : i32
    %c0_i32_0 = arith.constant 0 : i32
    return %arg0, %c0_i32 : i32, i32
  }
  func.func @transform_2(%arg0: i32) -> (i32, i32) {
    %c0_i32 = arith.constant 0 : i32
    %c0_i32_0 = arith.constant 0 : i32
    return %arg0, %c0_i32 : i32, i32
  }
  func.func @transform_3(%arg0: i32) -> (i32, i32) {
    %c0_i32 = arith.constant 0 : i32
    %c0_i32_0 = arith.constant 0 : i32
    return %arg0, %c0_i32 : i32, i32
  }
  func.func @transform_4(%arg0: i32) -> (i32, i32) {
    %c0_i32 = arith.constant 0 : i32
    %c0_i32_0 = arith.constant 0 : i32
    return %arg0, %c0_i32 : i32, i32
  }
}

module attributes {stable_mosaic.version = 14 : i64} {
  func.func @_mid_body(%arg0: i32, %arg1: memref<1000x128xf32, #tpu.memory_space<vmem>>, %arg2: memref<1000x128xf32, #tpu.memory_space<vmem>>, %arg3: memref<1000x128xf32, #tpu.memory_space<vmem>>, %arg4: memref<1000x8xf32, #tpu.memory_space<vmem>>, %arg5: memref<128x256xf32, #tpu.memory_space<vmem>>, %arg6: memref<1x256xf32, #tpu.memory_space<vmem>>, %arg7: memref<256x64xf32, #tpu.memory_space<vmem>>, %arg8: memref<1000x64xf32, #tpu.memory_space<vmem>>) attributes {dimension_semantics = [#tpu.dimension_semantics<arbitrary>], iteration_bounds = array<i64: 10>, scalar_prefetch = 0 : i64, scratch_operands = 0 : i64, tpu.core_type = #tpu.core_type<tc>, window_params = [{transform_indices = @transform_0, window_bounds = array<i64: 1000, 128>}, {transform_indices = @transform_1, window_bounds = array<i64: 1000, 128>}, {transform_indices = @transform_2, window_bounds = array<i64: 1000, 128>}, {transform_indices = @transform_3, window_bounds = array<i64: 1000, 8>}, {pipeline_mode = #tpu.pipeline_mode<synchronous>, transform_indices = @transform_4, window_bounds = array<i64: 128, 256>}, {pipeline_mode = #tpu.pipeline_mode<synchronous>, transform_indices = @transform_5, window_bounds = array<i64: 1, 256>}, {pipeline_mode = #tpu.pipeline_mode<synchronous>, transform_indices = @transform_6, window_bounds = array<i64: 256, 64>}, {transform_indices = @transform_7, window_bounds = array<i64: 1000, 64>}]} {
    %get3A = arith.constant 0 : index
    %get3A_0 = arith.constant 0 : index
    %get3A_1 = vector.load %arg4[%get3A, %get3A_0] : memref<1000x8xf32, #tpu.memory_space<vmem>>, vector<1000x8xf32>
    %slice3A = vector.extract_strided_slice %get3A_1 {offsets = [0, 0], sizes = [1000, 1], strides = [1, 1]} : vector<1000x8xf32> to vector<1000x1xf32>
    %get3A_2 = arith.constant 0 : index
    %get3A_3 = arith.constant 0 : index
    %get3A_4 = vector.load %arg1[%get3A_2, %get3A_3] : memref<1000x128xf32, #tpu.memory_space<vmem>>, vector<1000x128xf32>
    %get3A_5 = arith.constant 0 : index
    %get3A_6 = arith.constant 0 : index
    %get3A_7 = vector.load %arg2[%get3A_5, %get3A_6] : memref<1000x128xf32, #tpu.memory_space<vmem>>, vector<1000x128xf32>
    %add3A = arith.addf %get3A_4, %get3A_7 : vector<1000x128xf32>
    %get3A_8 = arith.constant 0 : index
    %get3A_9 = arith.constant 0 : index
    %get3A_10 = vector.load %arg3[%get3A_8, %get3A_9] : memref<1000x128xf32, #tpu.memory_space<vmem>>, vector<1000x128xf32>
    %sub3A = arith.subf %add3A, %get3A_10 : vector<1000x128xf32>
    %mul3A = vector.broadcast %slice3A : vector<1000x1xf32> to vector<1000x128xf32>
    %mul3A_11 = arith.mulf %sub3A, %mul3A : vector<1000x128xf32>
    %get3A_12 = arith.constant 0 : index
    %get3A_13 = arith.constant 0 : index
    %get3A_14 = vector.load %arg5[%get3A_12, %get3A_13] : memref<128x256xf32, #tpu.memory_space<vmem>>, vector<128x256xf32>
    %dot_general3A = arith.constant dense<0.000000e+00> : vector<1000x256xf32>
    %dot_general3A_15 = tpu.matmul %mul3A_11, %get3A_14, %dot_general3A {dimension_numbers = #tpu.dot_dimension_numbers<[1], [0], [0], [1], [0, 0, 1, 1], [], []>, transpose_lhs_hint = false} : vector<1000x128xf32>, vector<128x256xf32>, vector<1000x256xf32> -> vector<1000x256xf32>
    %get3A_16 = arith.constant 0 : index
    %get3A_17 = arith.constant 0 : index
    %get3A_18 = vector.load %arg6[%get3A_16, %get3A_17] : memref<1x256xf32, #tpu.memory_space<vmem>>, vector<1x256xf32>
    %add3A_19 = vector.broadcast %get3A_18 : vector<1x256xf32> to vector<1000x256xf32>
    %add3A_20 = arith.addf %dot_general3A_15, %add3A_19 : vector<1000x256xf32>
    %max3A = arith.constant 0.000000e+00 : f32
    %max3A_21 = vector.broadcast %max3A : f32 to vector<1000x256xf32>
    %max3A_22 = arith.maximumf %add3A_20, %max3A_21 : vector<1000x256xf32>
    %get3A_23 = arith.constant 0 : index
    %get3A_24 = arith.constant 0 : index
    %get3A_25 = vector.load %arg7[%get3A_23, %get3A_24] : memref<256x64xf32, #tpu.memory_space<vmem>>, vector<256x64xf32>
    %dot_general3A_26 = arith.constant dense<0.000000e+00> : vector<1000x64xf32>
    %dot_general3A_27 = tpu.matmul %max3A_22, %get3A_25, %dot_general3A_26 {dimension_numbers = #tpu.dot_dimension_numbers<[1], [0], [0], [1], [0, 0, 1, 1], [], []>, transpose_lhs_hint = false} : vector<1000x256xf32>, vector<256x64xf32>, vector<1000x64xf32> -> vector<1000x64xf32>
    %mul3A_28 = vector.broadcast %slice3A : vector<1000x1xf32> to vector<1000x64xf32>
    %mul3A_29 = arith.mulf %dot_general3A_27, %mul3A_28 : vector<1000x64xf32>
    %swap3A = arith.constant 0 : index
    %swap3A_30 = arith.constant 0 : index
    %swap3A_31 = vector.load %arg8[%swap3A, %swap3A_30] : memref<1000x64xf32, #tpu.memory_space<vmem>>, vector<1000x64xf32>
    tpu.vector_store %arg8[%swap3A, %swap3A_30], %mul3A_29 {strides = array<i32>} : memref<1000x64xf32, #tpu.memory_space<vmem>>, vector<1000x64xf32>,
    return
  }
  func.func @transform_0(%arg0: i32) -> (i32, i32) {
    %c0_i32 = arith.constant 0 : i32
    %c0_i32_0 = arith.constant 0 : i32
    return %arg0, %c0_i32 : i32, i32
  }
  func.func @transform_1(%arg0: i32) -> (i32, i32) {
    %c0_i32 = arith.constant 0 : i32
    %c0_i32_0 = arith.constant 0 : i32
    return %arg0, %c0_i32 : i32, i32
  }
  func.func @transform_2(%arg0: i32) -> (i32, i32) {
    %c0_i32 = arith.constant 0 : i32
    %c0_i32_0 = arith.constant 0 : i32
    return %arg0, %c0_i32 : i32, i32
  }
  func.func @transform_3(%arg0: i32) -> (i32, i32) {
    %c0_i32 = arith.constant 0 : i32
    %c0_i32_0 = arith.constant 0 : i32
    return %arg0, %c0_i32 : i32, i32
  }
  func.func @transform_4(%arg0: i32) -> (i32, i32) {
    %c0_i32 = arith.constant 0 : i32
    %c0_i32_0 = arith.constant 0 : i32
    %c0_i32_1 = arith.constant 0 : i32
    return %c0_i32, %c0_i32_0 : i32, i32
  }
  func.func @transform_5(%arg0: i32) -> (i32, i32) {
    %c0_i32 = arith.constant 0 : i32
    %c0_i32_0 = arith.constant 0 : i32
    %c0_i32_1 = arith.constant 0 : i32
    return %c0_i32, %c0_i32_0 : i32, i32
  }
  func.func @transform_6(%arg0: i32) -> (i32, i32) {
    %c0_i32 = arith.constant 0 : i32
    %c0_i32_0 = arith.constant 0 : i32
    %c0_i32_1 = arith.constant 0 : i32
    return %c0_i32, %c0_i32_0 : i32, i32
  }
  func.func @transform_7(%arg0: i32) -> (i32, i32) {
    %c0_i32 = arith.constant 0 : i32
    %c0_i32_0 = arith.constant 0 : i32
    return %arg0, %c0_i32 : i32, i32
  }
}

module attributes {stable_mosaic.version = 14 : i64} {
  func.func @_final_body(%arg0: i32, %arg1: memref<1000x64xf32, #tpu.memory_space<vmem>>, %arg2: memref<1000x64xf32, #tpu.memory_space<vmem>>, %arg3: memref<1000x64xf32, #tpu.memory_space<vmem>>, %arg4: memref<1000x8xf32, #tpu.memory_space<vmem>>, %arg5: memref<1x64xf32, #tpu.memory_space<vmem>>, %arg6: memref<1000x64xf32, #tpu.memory_space<vmem>>) attributes {dimension_semantics = [#tpu.dimension_semantics<arbitrary>], iteration_bounds = array<i64: 10>, scalar_prefetch = 0 : i64, scratch_operands = 0 : i64, tpu.core_type = #tpu.core_type<tc>, window_params = [{transform_indices = @transform_0, window_bounds = array<i64: 1000, 64>}, {transform_indices = @transform_1, window_bounds = array<i64: 1000, 64>}, {transform_indices = @transform_2, window_bounds = array<i64: 1000, 64>}, {transform_indices = @transform_3, window_bounds = array<i64: 1000, 8>}, {pipeline_mode = #tpu.pipeline_mode<synchronous>, transform_indices = @transform_4, window_bounds = array<i64: 1, 64>}, {transform_indices = @transform_5, window_bounds = array<i64: 1000, 64>}]} {
    %get3A = arith.constant 0 : index
    %get3A_0 = arith.constant 0 : index
    %get3A_1 = vector.load %arg1[%get3A, %get3A_0] : memref<1000x64xf32, #tpu.memory_space<vmem>>, vector<1000x64xf32>
    %get3A_2 = arith.constant 0 : index
    %get3A_3 = arith.constant 0 : index
    %get3A_4 = vector.load %arg2[%get3A_2, %get3A_3] : memref<1000x64xf32, #tpu.memory_space<vmem>>, vector<1000x64xf32>
    %add3A = arith.addf %get3A_1, %get3A_4 : vector<1000x64xf32>
    %get3A_5 = arith.constant 0 : index
    %get3A_6 = arith.constant 0 : index
    %get3A_7 = vector.load %arg3[%get3A_5, %get3A_6] : memref<1000x64xf32, #tpu.memory_space<vmem>>, vector<1000x64xf32>
    %sub3A = arith.subf %add3A, %get3A_7 : vector<1000x64xf32>
    %get3A_8 = arith.constant 0 : index
    %get3A_9 = arith.constant 0 : index
    %get3A_10 = vector.load %arg4[%get3A_8, %get3A_9] : memref<1000x8xf32, #tpu.memory_space<vmem>>, vector<1000x8xf32>
    %slice3A = vector.extract_strided_slice %get3A_10 {offsets = [0, 0], sizes = [1000, 1], strides = [1, 1]} : vector<1000x8xf32> to vector<1000x1xf32>
    %mul3A = vector.broadcast %slice3A : vector<1000x1xf32> to vector<1000x64xf32>
    %mul3A_11 = arith.mulf %sub3A, %mul3A : vector<1000x64xf32>
    %get3A_12 = arith.constant 0 : index
    %get3A_13 = arith.constant 0 : index
    %get3A_14 = vector.load %arg5[%get3A_12, %get3A_13] : memref<1x64xf32, #tpu.memory_space<vmem>>, vector<1x64xf32>
    %add3A_15 = vector.broadcast %get3A_14 : vector<1x64xf32> to vector<1000x64xf32>
    %add3A_16 = arith.addf %mul3A_11, %add3A_15 : vector<1000x64xf32>
    %reduce_max3A = arith.constant dense<0xFF800000> : vector<1000xf32>
    %reduce_max3A_17 = vector.multi_reduction <maximumf>, %add3A_16, %reduce_max3A [1] : vector<1000x64xf32> to vector<1000xf32>
    %broadcast_in_dim3A = vector.shape_cast %reduce_max3A_17 : vector<1000xf32> to vector<1000x1xf32>
    %sub3A_18 = vector.broadcast %broadcast_in_dim3A : vector<1000x1xf32> to vector<1000x64xf32>
    %sub3A_19 = arith.subf %add3A_16, %sub3A_18 : vector<1000x64xf32>
    %exp3A = math.exp %sub3A_19 : vector<1000x64xf32>
    %sub3A_20 = vector.broadcast %broadcast_in_dim3A : vector<1000x1xf32> to vector<1000x64xf32>
    %sub3A_21 = arith.subf %add3A_16, %sub3A_20 : vector<1000x64xf32>
    %reduce_sum3A = arith.constant dense<0.000000e+00> : vector<1000xf32>
    %reduce_sum3A_22 = vector.multi_reduction <add>, %exp3A, %reduce_sum3A [1] : vector<1000x64xf32> to vector<1000xf32>
    %broadcast_in_dim3A_23 = vector.shape_cast %reduce_sum3A_22 : vector<1000xf32> to vector<1000x1xf32>
    %log3A = math.log %broadcast_in_dim3A_23 : vector<1000x1xf32>
    %sub3A_24 = vector.broadcast %log3A : vector<1000x1xf32> to vector<1000x64xf32>
    %sub3A_25 = arith.subf %sub3A_21, %sub3A_24 : vector<1000x64xf32>
    %swap3A = arith.constant 0 : index
    %swap3A_26 = arith.constant 0 : index
    %swap3A_27 = vector.load %arg6[%swap3A, %swap3A_26] : memref<1000x64xf32, #tpu.memory_space<vmem>>, vector<1000x64xf32>
    tpu.vector_store %arg6[%swap3A, %swap3A_26], %sub3A_25 {strides = array<i32>} : memref<1000x64xf32, #tpu.memory_space<vmem>>, vector<1000x64xf32>,
    return
  }
  func.func @transform_0(%arg0: i32) -> (i32, i32) {
    %c0_i32 = arith.constant 0 : i32
    %c0_i32_0 = arith.constant 0 : i32
    return %arg0, %c0_i32 : i32, i32
  }
  func.func @transform_1(%arg0: i32) -> (i32, i32) {
    %c0_i32 = arith.constant 0 : i32
    %c0_i32_0 = arith.constant 0 : i32
    return %arg0, %c0_i32 : i32, i32
  }
  func.func @transform_2(%arg0: i32) -> (i32, i32) {
    %c0_i32 = arith.constant 0 : i32
    %c0_i32_0 = arith.constant 0 : i32
    return %arg0, %c0_i32 : i32, i32
  }
  func.func @transform_3(%arg0: i32) -> (i32, i32) {
    %c0_i32 = arith.constant 0 : i32
    %c0_i32_0 = arith.constant 0 : i32
    return %arg0, %c0_i32 : i32, i32
  }
  func.func @transform_4(%arg0: i32) -> (i32, i32) {
    %c0_i32 = arith.constant 0 : i32
    %c0_i32_0 = arith.constant 0 : i32
    %c0_i32_1 = arith.constant 0 : i32
    return %c0_i32, %c0_i32_0 : i32, i32
  }
  func.func @transform_5(%arg0: i32) -> (i32, i32) {
    %c0_i32 = arith.constant 0 : i32
    %c0_i32_0 = arith.constant 0 : i32
    return %arg0, %c0_i32 : i32, i32
  }
}

</mosaic_0001>

<sc_bundles>
// kernel: kernel.11.cloned.1.call-start
scs
__scs_entry_jumppad:
0x0: {  	(pc) =	sbr.rel $0x88, $3  }
0x1: {  	(tag) =	ssettag $0x0;
	lr =	simm.s32 $0x1  }
0x2: {  	[smem:$0x3F9B] =	sst lr;
	_ =	strace $0xD0000000  }
0x3: {  	_ = 	snop  }
0x4: {  	_ = 	snop  }
0x5: {  	_ = 	snop  }
0x6: {  	_ = 	snop  }
0x7: {  	_ = 	snop  }
__scs_overlays_trampoline_lowered:
0x8: {  	[smem:$0x3FAA] =	sst s0  }
0x9: {  	[smem:$0x3FAB] =	sst s1  }
0xa: {  	[smem:$0x3FAC] =	sst s2  }
0xb: {  	[smem:$0x3FAD] =	sst s3  }
0xc: {  	[smem:$0x3FAE] =	sst s4  }
0xd: {  	[smem:$0x3FAF] =	sst s5  }
0xe: {  	[smem:$0x3FB0] =	sst s6  }
0xf: {  	[smem:$0x3FB1] =	sst s7  }
0x10: {  	[smem:$0x3FB2] =	sst s8  }
0x11: {  	[smem:$0x3FB3] =	sst s9;
	s0 =	simm.s32 @!p0 $0x0  }
0x12: {  	s1 =	sld [smem:$0x3F99];
	s0 =	simm.s32 @p0 $0x1  }
0x13: {  	[smem:$0x3FB4] =	sst s0;
	s0 =	simm.s32 @!p1 $0x0  }
0x14: {  	s2 =	sld [smem:$0x3F98];
	s0 =	simm.s32 @p1 $0x1  }
0x15: {  	[smem:$0x3FB5] =	sst s0;
	s0 =	simm.s32 @!p2 $0x0  }
0x16: {  	s3 =	sld [smem:$0x3FDB];
	s0 =	simm.s32 @p2 $0x1  }
0x17: {  	s4 =	simm.s32 $0x1BF5;
	[smem:$0x3FB7] =	sst s0  }
0x18: {  	s0 =	sld [smem:$0x3F9A];
	_ =	swait.ge [sflag:s4], $0x0  }
0x19: {  	s7 =	sld [smem:$0x3F9B]  }
0x1a: {  	s8 =	sadd.s32 $0xFFFFE003, lr  }
0x1b: {  	s9 =	sadd.s32 $0xFFFFFEF7, lr;
	s5 =	simm.s32 $0xFFFFFFFF;
	p2 =	slt.u32 s8, $0xFFFFF086  }
0x1c: {  	p1 =	slt.u32 s9, $0xF7A;
	s5 =	simm.s32 @!p2 $0x0  }
0x1d: {  	s5 =	simm.s32 @p1 $0x1;
	p0 =	seq.s32 s7, s2  }
0x1e: {  	s7 =	smul.u32 @!p0 $0xF7A, s2;
	p2 =	seq.s32 @!p0 s5, $0x0  }
0x1f: {  	s9 =	smul.u32 $0xF7A, s1;
	s8 =	simm.s32 @!p0 $0x1BF5;
	p2 =	por !p2, p0  }
0x20: {  	[sflag:s8] =	ssyncset.s32 @!p0 $0xFFFFF086;
	s6 =	sadd.s32 @!p0 s3, s7;
	s7 =	simm.s32 @!p0 $0x108  }
0x21: {  	s3 =	sadd.s32 s3, s9;
	s6 =	sadd.s32 @!p0 $0x88, s6;
	s7 =	simm.s32 @p2 $0x1082  }
0x22: {  	[simem:s7], [sflag:s8] =	dma.local @!p0 [hbm:s6], $0xF7A  }
0x23: {  	s9 =	sor.u32 $0xD0000000, s2;
	s6 =	simm.s32 $0x108;
	_ =	swait.ge @!p0 [sflag:s8], $0x0  }
0x24: {  	s3 =	sadd.s32 $0x88, s3;
	s6 =	simm.s32 @!p1 $0x1082;
	[sflag:s4] =	ssyncset.s32 $0xFFFFF086  }
0x25: {  	[simem:s6], [sflag:s4] =	dma.local [hbm:s3], $0xF7A  }
0x26: {  	[smem:$0x3F9B] =	sst s1;
	(tag) =	ssettag s2;
	_ =	strace s9  }
0x27: {  	s1 =	sld [smem:$0x3FAB]  }
0x28: {  	s2 =	sld [smem:$0x3FAC]  }
0x29: {  	s4 =	sld [smem:$0x3FAE]  }
0x2a: {  	p0 =	seq.s32 s5, $0x0;
	s5 =	sld [smem:$0x3FAF]  }
0x2b: {  	s6 =	sld [smem:$0x3FB0]  }
0x2c: {  	s7 =	sld [smem:$0x3FB1]  }
0x2d: {  	s3 =	simm.s32 $0x108;
	s8 =	sld [smem:$0x3FB2]  }
0x2e: {  	s3 =	simm.s32 @!p0 $0x1082;
	s9 =	sld [smem:$0x3FB3]  }
0x2f: {  	lr =	sadd.s32 s0, s3;
	s0 =	sld [smem:$0x3FAA]  }
0x30: {  	s3 =	sld [smem:$0x3FAD]  }
0x31: {  	[smem:$0x3FB6] =	sst s10  }
0x32: {  	s10 =	sld [smem:$0x3FB4];
	_ =	sdelay $0x3  }
0x33: {  	p0 =	seq.s32 s10, $0x1;
	s10 =	sld [smem:$0x3FB6];
	_ =	sdelay $0x3  }
0x34: {  	[smem:$0x3FB6] =	sst s10  }
0x35: {  	s10 =	sld [smem:$0x3FB5];
	_ =	sdelay $0x3  }
0x36: {  	p1 =	seq.s32 s10, $0x1;
	s10 =	sld [smem:$0x3FB6];
	_ =	sdelay $0x3  }
0x37: {  	[smem:$0x3FB6] =	sst s10  }
0x38: {  	s10 =	sld [smem:$0x3FB7]  }
0x39: {  	_ = 	snop;
	(pc) =	sbr.ind lr, $3  }
0x3a: {  	_ = 	snop  }
0x3b: {  	_ = 	snop  }
0x3c: {  	p2 =	seq.s32 s10, $0x1;
	s10 =	sld [smem:$0x3FB6]  }
0x3d: {  	_ =	shalt  }
0x3e: {  	_ =	shalt  }
0x3f: {  	_ =	shalt  }
0x40: {  	_ =	shalt  }
0x41: {  	_ =	shalt  }
0x42: {  	_ =	shalt  }
0x43: {  	_ =	shalt  }
0x44: {  	_ =	shalt  }
0x45: {  	_ =	shalt  }
0x46: {  	_ =	shalt  }
0x47: {  	_ =	shalt  }
0x48: {  	_ =	shalt  }
0x49: {  	_ =	shalt  }
0x4a: {  	_ =	shalt  }
0x4b: {  	_ =	shalt  }
0x4c: {  	_ =	shalt  }
0x4d: {  	_ =	shalt  }
0x4e: {  	_ =	shalt  }
0x4f: {  	_ =	shalt  }
0x50: {  	_ =	shalt  }
0x51: {  	_ =	shalt  }
0x52: {  	_ =	shalt  }
0x53: {  	_ =	shalt  }
0x54: {  	_ =	shalt  }
0x55: {  	_ =	shalt  }
0x56: {  	_ =	shalt  }
0x57: {  	_ =	shalt  }
0x58: {  	_ =	shalt  }
0x59: {  	_ =	shalt  }
0x5a: {  	_ =	shalt  }
0x5b: {  	_ =	shalt  }
0x5c: {  	_ =	shalt  }
0x5d: {  	_ =	shalt  }
0x5e: {  	_ =	shalt  }
0x5f: {  	_ =	shalt  }
0x60: {  	_ =	shalt  }
0x61: {  	_ =	shalt  }
0x62: {  	_ =	shalt  }
0x63: {  	_ =	shalt  }
0x64: {  	_ =	shalt  }
0x65: {  	_ =	shalt  }
0x66: {  	_ =	shalt  }
0x67: {  	_ =	shalt  }
0x68: {  	_ =	shalt  }
0x69: {  	_ =	shalt  }
0x6a: {  	_ =	shalt  }
0x6b: {  	_ =	shalt  }
0x6c: {  	_ =	shalt  }
0x6d: {  	_ =	shalt  }
0x6e: {  	_ =	shalt  }
0x6f: {  	_ =	shalt  }
0x70: {  	_ =	shalt  }
0x71: {  	_ =	shalt  }
0x72: {  	_ =	shalt  }
0x73: {  	_ =	shalt  }
0x74: {  	_ =	shalt  }
0x75: {  	_ =	shalt  }
0x76: {  	_ =	shalt  }
0x77: {  	_ =	shalt  }
0x78: {  	_ =	shalt  }
0x79: {  	_ =	shalt  }
0x7a: {  	_ =	shalt  }
0x7b: {  	_ =	shalt  }
0x7c: {  	_ =	shalt  }
0x7d: {  	_ =	shalt  }
0x7e: {  	_ =	shalt  }
0x7f: {  	_ =	shalt  }
0x80: {  	_ =	shalt  }
0x81: {  	_ =	shalt  }
0x82: {  	_ =	shalt  }
0x83: {  	_ =	shalt  }
0x84: {  	_ =	shalt  }
0x85: {  	_ =	shalt  }
0x86: {  	_ =	shalt  }
0x87: {  	_ =	shalt  }
.Lfunc_end0:
.L_simem_size_0:
called_computation.1_lowered:
.L_overlay_start_0:
0x88: {  	s2 =	sld [smem:$0x3FD9]  }
0x89: {  	s3 =	sld [smem:$0x3FFE];
	_ =	sdelay $0x1  }
0x8a: {  	s1 =	srdreg.scid  }
0x8b: {  	s0 =	sand.u32 $0x1, s1  }
0x8c: {  	s17 =	sshll.u32 s0, $0xA;
	s2 =	sadd.s32 s3, s2  }
0x8d: {  	s2 =	sadd.s32 s2, s17  }
0x8e: {  	[smem:$0x3FC2] =	sst s2  }
0x8f: {  	_ = 	snop  }
0x90: {  	s2 =	sld [smem:$0x3FD0];
	(tm) =	ssettm $0x1  }
0x91: {  	s18 =	sld [smem:$0x3FFB];
	_ =	sdelay $0x3  }
0x92: {  	_ =	strace s18  }
0x93: {  	s3 =	sld [smem:$0x3FFC];
	_ =	sdelay $0x3  }
0x94: {  	_ =	strace s3  }
0x95: {  	s3 =	sld [smem:$0x3FFD];
	_ =	sdelay $0x3  }
0x96: {  	_ =	strace s3  }
0x97: {  	_ =	strace $0x8FFFFFFF  }
0x98: {  	s19 =	sld [smem:$0x3FDB];
	_ =	sdelay $0x1  }
0x99: {  	s4 =	simm.s32 $_scs_section_size  }
0x9a: {  	s5 =	simm.s32 $_size__tile_overlayer_lowered;
	s6 =	simm.s32 $_tile_overlayer_lowered  }
0x9b: {  	s22 =	simm.s32 $0x1BFF;
	s21 =	sshll.u32 s6, $0x1;
	s3 =	sadd.s32 s4, s19  }
0x9c: {  	s7 =	simm.s32 $0x0;
	s20 =	sshll.u32 s5, $0x1;
	s5 =	sadd.s32 s21, s3  }
0x9d: {  	[timem:s7], [sflag:s22] =	dma.local [hbm:s5], s20  }
0x9e: {  	_ =	swait.ge [sflag:s22], s20  }
0x9f: {  	s4 =	ssub.s32 $0x0, s20;
	[sflag:s22] =	ssyncset.done $0x0  }
0xa0: {  	[sflag:s22] =	ssyncadd.s32 s4;
	_ =	sdelay $0x1  }
0xa1: {  	s23 =	simm.s32 $0x1B8B  }
0xa2: {  	_ =	swait.ge [sflag:s23], $0x1  }
0xa3: {  	[sflag:s23] =	ssyncset.done $0x0  }
0xa4: {  	s25 =	simm.s32 $0x1B8E;
	s24 =	sld [smem:$0x3FFE];
	[sflag:s23] =	ssyncadd.s32 $0xFFFFFFFF  }
0xa5: {  	s26 =	simm.s32 $execute0_lowered;
	[smem:$0x3FD2] =	sst s25  }
0xa6: {  	s5 =	sshll.u32 s26, $0x1;
	_ =	strace $0x80000049;
	[dreg:$0x1] =	wrdreg $0xFFFFFFFF  }
0xa7: {  	s28 =	simm.s32 $_size_execute0_lowered;
	s3 =	sadd.s32 s3, s5;
	[dreg:$0x0] =	wrdreg $0x0  }
0xa8: {  	s5 =	sshll.u32 s28, $0x1;
	[dreg:$0x2] =	wrdreg s3  }
0xa9: {  	[dreg:$0x3] =	wrdreg s5  }
0xaa: {  	[dreg:$0x4] =	wrdreg $0xC0  }
0xab: {  	_ =	task [dreg:s7], $0x5FFFF  }
0xac: {  	[dreg:$0x1] =	wrdreg $0xFFFFFFFF  }
0xad: {  	[dreg:$0x0] =	wrdreg $0x60  }
0xae: {  	[dreg:$0x2] =	wrdreg s24  }
0xaf: {  	[dreg:$0x3] =	wrdreg s2  }
0xb0: {  	[dreg:$0x4] =	wrdreg $0x29000  }
0xb1: {  	[dreg:$0x5] =	wrdreg $0x9  }
0xb2: {  	_ =	task.clear_ibuf [dreg:s7], $0x6FFFF;
	_ =	strace $0x90000049  }
0xb3: {  	s29 =	simm.s32 $0x9;
	_ =	strace $0x8000004B  }
0xb4: {  	_ =	swait.ge [sflag:s29], $0x1  }
0xb5: {  	[sflag:s29] =	ssyncadd.s32 $0xFFFFFFFF  }
0xb6: {  	_ =	strace $0x9000004B  }
0xb7: {  	_ =	sfence  }
0xb8: {  	s30 =	sld [smem:$0x0];
	_ =	sdelay $0x2  }
0xb9: {  	s31 =	sshll.u32 s1, $0xD;
	s1 =	sshrl.u32 s1, $0x2  }
0xba: {  	s3 =	sand.u32 $0x4000, s31;
	s1 =	sadd.s32 s1, s30  }
0xbb: {  	s0 =	sor.u32 s3, s0;
	s1 =	sshll.u32 s1, $0x11  }
0xbc: {  	s0 =	sor.u32 s1, s0  }
0xbd: {  	s0 =	sadd.s32 $0x8F2B, s0  }
0xbe: {  	[sflag:s0] =	ssyncadd.remote.s32 $0x1  }
0xbf: {  	_ =	sfence.sel $0xFFFF  }
0xc0: {  	[dreg:$0x0] =	wrdreg $0xFFFFFFFF;
	(pc) =	sbr.abs _section_cstart, $3  }
0xc1: {  	[dreg:$0x1] =	wrdreg $0xFFFFFFFF  }
0xc2: {  	_ =	task.clear_ibuf [dreg:s7], $0x2FFFF;
	_ =	strace $0x9FFFFFFF  }
0xc3: {  	(tm) =	ssettm $0x7FFFFFFF  }
tec
execute0_lowered:
.L_overlay_start_1:
0x0: {  	(tag) =	ssettag $0x1  }
0x1: {  	s5 =	rddreg [dreg:$0x0]  }
0x2: {  	s10 =	rddreg [dreg:$0x1]  }
0x3: {  	s1 =	rddreg [dreg:$0x2];
	s2 =	srdreg.scid  }
0x4: {  	s0 =	rddreg [dreg:$0x3];
	s3 =	simm.s32 $0x0;
	s6 =	sand.u32 $0x1, s2  }
0x5: {  	s15 =	simm.s32 $0x100;
	s2 =	stileid.u32;
	s7 =	smul.u32 $0x27100, s6  }
0x6: {  	s16 =	simm.s32 $0x1;
	s17 =	simm.s32 $0x0;
	s8 =	smul.u32 $0x2710, s2  }
0x7: {  	[smem:$0x7FF] =	sst s3;
	s4 =	sadd.s32 $0x32600, s5;
	s9 =	smul.u32 $0x2780, s2  }
0x8: {  	_ =	strace $0x8000004A;
	s28 =	smul.u32 $0x27800, s6;
	s6 =	ssub.s32 $0x2, s6  }
0x9: {  	s29 =	smul.u32 $0x4F000, s2;
	s31 =	sshll.u32 s2, $0x6;
	s13 =	sshrl.u32 s6, $0x1  }
0xa: {  	s7 =	sadd.s32 s8, s7;
	s8 =	sadd.s32 s9, s28;
	s13 =	ssub.s32 s6, s13  }
0xb: {  	s30 =	sshrl.u32 s29, $0x2;
	s6 =	sor.u32 $0x1C02, s31;
	s11 =	sshrl.u32 s7, $0x3  }
0xc: {  	s8 =	sadd.s32 s8, s5;
	s14 =	sadd.s32 s30, s1;
	s12 =	sadd.s32 s11, s5  }
0xd: {  	s5 =	sadd.s32 s4, s9;
	s7 =	sadd.s32 $0x59E00, s8;
	s8 =	smax.u32 s13, $0x1  }
0xe: {  	s10 =	sadd.s32 s11, s10;
	s11 =	sshrl.u32 s14, $0x3;
	s13 =	simm.s32 $0x80  }
0xf: {  	s14 =	simm.s32 $0x50;
	s9 =	sadd.s32 $0x1600, s12;
	s12 =	simm.s32 $0x2  }
.LBB2_1:
0x10: {  	[spmem:s11], [sflag:s6] =	dma.local [hbm:s5], $0x2780  }
0x11: {  	_ =	swait.ge [sflag:s12], $0x2780  }
0x12: {  	[sflag:s12] =	ssyncset.done $0x0  }
0x13: {  	[sflag:s12] =	ssyncadd.s32 $0xFFFFD880  }
0x14: {  	s18 =	sadd.s32 $0x0, s10;
	[bflag:$0x0] =	sbarrier.arrive $0xFFFF  }
0x15: {  	[tilespmem:s3], [sflag:$0x2] =	stream.linear.gather [hbm4b:s18+s3], $0x50, $0x38;
	[tilespmem:$0x16500] =	vst v63  }
0x16: {  	_ =	swait.ge [sflag:s12], $0x50  }
0x17: {  	[sflag:s12] =	ssyncset.done $0x0  }
0x18: {  	s31 =	sadd.s32 $0x0, s9;
	[sflag:s12] =	ssyncadd.s32 $0xFFFFFFB0  }
0x19: {  	[tilespmem:s13], [sflag:$0x2] =	stream.linear.gather [hbm4b:s31+s3], $0x50, $0x38;
	[tilespmem:$0x16500] =	vst v63  }
0x1a: {  	_ =	swait.ge [sflag:s12], $0x50  }
0x1b: {  	[sflag:s12] =	ssyncset.done $0x0  }
0x1c: {  	[sflag:s12] =	ssyncadd.s32 $0xFFFFFFB0  }
0x1d: {  	[tilespmem:s15], [sflag:$0x1] =	stream.indirect.gather [hbm4b:s4+s14], $0x80, s3, s14, $0xb8;
	[tilespmem:$0x16500] =	vst v63  }
0x1e: {  	_ =	swait.ge [sflag:s16], $0x2800  }
0x1f: {  	[sflag:s16] =	ssyncset.done $0x0  }
0x20: {  	[sflag:s16] =	ssyncadd.s32 $0xFFFFD800  }
0x21: {  	[spmem:s1] =	stream.indirect.scatter.add.f32 [tilespmem:s15], [sflag:$0x2], $0x80, s13, s14, $0xb8;
	[tilespmem:$0x16500] =	vst v63  }
0x22: {  	_ =	swait.ge [sflag:s12], $0x2800  }
0x23: {  	s19 =	simm.s32 $0x14;
	s18 =	simm.s32 $0xA;
	[sflag:s12] =	ssyncset.done $0x0  }
.LBB2_2:
0x24: {  	s20 =	sadd.s32 s18, s10  }
0x25: {  	[sflag:s12] =	ssyncadd.s32 $0xFFFFD800;
	s21 =	smov.u32 s19;
	s22 =	sadd.s32 $0xA, s19  }
0x26: {  	[tilespmem:s3], [sflag:$0x2] =	stream.linear.gather [hbm4b:s20+s3], $0x50, $0x38;
	[tilespmem:$0x16500] =	vst v63  }
0x27: {  	p0 =	sne.s32 s19, $0x4D8;
	_ =	swait.ge [sflag:s12], $0x50  }
0x28: {  	[sflag:s12] =	ssyncset.done $0x0  }
0x29: {  	s19 =	sadd.s32 s18, s9;
	s18 =	smov.u32 s21;
	[sflag:s12] =	ssyncadd.s32 $0xFFFFFFB0  }
0x2a: {  	[tilespmem:s13], [sflag:$0x2] =	stream.linear.gather [hbm4b:s19+s3], $0x50, $0x38;
	[tilespmem:$0x16500] =	vst v63  }
0x2b: {  	_ =	swait.ge [sflag:s12], $0x50  }
0x2c: {  	[sflag:s12] =	ssyncset.done $0x0  }
0x2d: {  	[sflag:s12] =	ssyncadd.s32 $0xFFFFFFB0  }
0x2e: {  	[tilespmem:s15], [sflag:$0x1] =	stream.indirect.gather [hbm4b:s4+s14], $0x80, s3, s14, $0xb8;
	[tilespmem:$0x16500] =	vst v63  }
0x2f: {  	_ =	swait.ge [sflag:s16], $0x2800  }
.Ltmp0:
0x30: {  	[sflag:s16] =	ssyncset.done $0x0;
	(pc) =	sbr.rel @p0 .LBB2_2-.Ltmp0, $4  }
0x31: {  	[sflag:s16] =	ssyncadd.s32 $0xFFFFD800  }
0x32: {  	[spmem:s1] =	stream.indirect.scatter.add.f32 [tilespmem:s15], [sflag:$0x2], $0x80, s13, s14, $0xb8;
	[tilespmem:$0x16500] =	vst v63  }
0x33: {  	_ =	swait.ge [sflag:s12], $0x2800  }
0x34: {  	s19 =	smov.u32 s22;
	[sflag:s12] =	ssyncset.done $0x0  }
0x35: {  	s19 =	sadd.s32 s18, s10;
	[sflag:s12] =	ssyncadd.s32 $0xFFFFD800  }
0x36: {  	[tilespmem:s3], [sflag:$0x2] =	stream.linear.gather [hbm4b:s19+s3], $0x50, $0x38;
	[tilespmem:$0x16500] =	vst v63  }
0x37: {  	_ =	swait.ge [sflag:s12], $0x50  }
0x38: {  	[sflag:s12] =	ssyncset.done $0x0  }
0x39: {  	s31 =	sadd.s32 s18, s9;
	[sflag:s12] =	ssyncadd.s32 $0xFFFFFFB0  }
0x3a: {  	[tilespmem:s13], [sflag:$0x2] =	stream.linear.gather [hbm4b:s31+s3], $0x50, $0x38;
	[tilespmem:$0x16500] =	vst v63  }
0x3b: {  	_ =	swait.ge [sflag:s12], $0x50  }
0x3c: {  	[sflag:s12] =	ssyncset.done $0x0  }
0x3d: {  	[sflag:s12] =	ssyncadd.s32 $0xFFFFFFB0  }
0x3e: {  	[tilespmem:s15], [sflag:$0x1] =	stream.indirect.gather [hbm4b:s4+s14], $0x80, s3, s14, $0xb8;
	[tilespmem:$0x16500] =	vst v63  }
0x3f: {  	_ =	swait.ge [sflag:s16], $0x2800  }
0x40: {  	[sflag:s16] =	ssyncset.done $0x0  }
0x41: {  	[sflag:s16] =	ssyncadd.s32 $0xFFFFD800  }
0x42: {  	[spmem:s1] =	stream.indirect.scatter.add.f32 [tilespmem:s15], [sflag:$0x2], $0x80, s13, s14, $0xb8;
	[tilespmem:$0x16500] =	vst v63  }
0x43: {  	_ =	swait.ge [sflag:s12], $0x2800  }
0x44: {  	s17 =	sadd.s32 $0x1, s17;
	[sflag:s12] =	ssyncset.done $0x0  }
0x45: {  	p0 =	sne.s32 s17, s8;
	[sflag:s12] =	ssyncadd.s32 $0xFFFFD800  }
.Ltmp1:
0x46: {  	[bflag:$0x0] =	sbarrier.arrive $0xFFFF;
	(pc) =	sbr.rel @p0 .LBB2_1-.Ltmp1, $4  }
0x47: {  	[hbm:s7], [sflag:s6] =	dma.local [spmem:s11], $0x2780  }
0x48: {  	_ =	swait.ge [sflag:s12], $0x2780  }
0x49: {  	[sflag:s12] =	ssyncset.done $0x0  }
0x4a: {  	[sflag:s12] =	ssyncadd.s32 $0xFFFFD880  }
0x4b: {  	_ =	sfence.sel $0x180000  }
0x4c: {  	[bflag:$0x0] =	sbarrier.arrive $0xFFFF  }
0x4d: {  	p0 =	sne.s32 s2, $0x0;
	_ =	strace $0x9000004A  }
0x4e: {  	s0 =	sadd.s32 @!p0 $0x100000, s0;
	[bflag:$0x2] =	sbarrier.arrive $0xFFFF  }
0x4f: {  	[sflag:s0] =	ssyncadd.tile.s32 @!p0 $0x1;
	_ =	shalt  }
.Lfunc_end2:
_tile_overlayer_lowered:
.L_overlay_start_2:
0x50: {  	(tag) =	ssettag $0x2  }
0x51: {  	s0 =	rddreg [dreg:$0x0];
	s2 =	stileid.u32  }
0x52: {  	s1 =	rddreg [dreg:$0x1];
	p0 =	sne.s32 s2, $0x0  }
0x53: {  	s3 =	rddreg [dreg:$0x2];
	[bflag:$0x3] =	sbarrier.arrive $0xFFFF;
	s2 =	simm.s32 @!p0 $0x1C02  }
0x54: {  	[timem:s3], [sflag:s2] =	dma.local @!p0 [hbm:s0], s1  }
0x55: {  	s0 =	simm.s32 @!p0 $0x2  }
0x56: {  	_ =	swait.ge @!p0 [sflag:s0], s1  }
0x57: {  	s1 =	ssub.s32 @!p0 $0x0, s1;
	[sflag:s0] =	ssyncset.done @!p0 $0x0  }
0x58: {  	[sflag:s0] =	ssyncadd.s32 @!p0 s1  }
0x59: {  	[bflag:$0x3] =	sbarrier.arrive $0xFFFF  }
0x5a: {  	_ =	shalt  }

// kernel: kernel.14.cloned.1.call-start
scs
__scs_entry_jumppad:
0x0: {  	(pc) =	sbr.rel $0x88, $3  }
0x1: {  	(tag) =	ssettag $0x0;
	lr =	simm.s32 $0x1  }
0x2: {  	[smem:$0x3F9B] =	sst lr;
	_ =	strace $0xD0000000  }
0x3: {  	_ = 	snop  }
0x4: {  	_ = 	snop  }
0x5: {  	_ = 	snop  }
0x6: {  	_ = 	snop  }
0x7: {  	_ = 	snop  }
__scs_overlays_trampoline_lowered:
0x8: {  	[smem:$0x3FAA] =	sst s0  }
0x9: {  	[smem:$0x3FAB] =	sst s1  }
0xa: {  	[smem:$0x3FAC] =	sst s2  }
0xb: {  	[smem:$0x3FAD] =	sst s3  }
0xc: {  	[smem:$0x3FAE] =	sst s4  }
0xd: {  	[smem:$0x3FAF] =	sst s5  }
0xe: {  	[smem:$0x3FB0] =	sst s6  }
0xf: {  	[smem:$0x3FB1] =	sst s7  }
0x10: {  	[smem:$0x3FB2] =	sst s8  }
0x11: {  	[smem:$0x3FB3] =	sst s9;
	s0 =	simm.s32 @!p0 $0x0  }
0x12: {  	s1 =	sld [smem:$0x3F99];
	s0 =	simm.s32 @p0 $0x1  }
0x13: {  	[smem:$0x3FB4] =	sst s0;
	s0 =	simm.s32 @!p1 $0x0  }
0x14: {  	s2 =	sld [smem:$0x3F98];
	s0 =	simm.s32 @p1 $0x1  }
0x15: {  	[smem:$0x3FB5] =	sst s0;
	s0 =	simm.s32 @!p2 $0x0  }
0x16: {  	s3 =	sld [smem:$0x3FDB];
	s0 =	simm.s32 @p2 $0x1  }
0x17: {  	s4 =	simm.s32 $0x1BF5;
	[smem:$0x3FB7] =	sst s0  }
0x18: {  	s0 =	sld [smem:$0x3F9A];
	_ =	swait.ge [sflag:s4], $0x0  }
0x19: {  	s7 =	sld [smem:$0x3F9B]  }
0x1a: {  	s8 =	sadd.s32 $0xFFFFE003, lr  }
0x1b: {  	s9 =	sadd.s32 $0xFFFFFEF7, lr;
	s5 =	simm.s32 $0xFFFFFFFF;
	p2 =	slt.u32 s8, $0xFFFFF086  }
0x1c: {  	p1 =	slt.u32 s9, $0xF7A;
	s5 =	simm.s32 @!p2 $0x0  }
0x1d: {  	s5 =	simm.s32 @p1 $0x1;
	p0 =	seq.s32 s7, s2  }
0x1e: {  	s7 =	smul.u32 @!p0 $0xF7A, s2;
	p2 =	seq.s32 @!p0 s5, $0x0  }
0x1f: {  	s9 =	smul.u32 $0xF7A, s1;
	s8 =	simm.s32 @!p0 $0x1BF5;
	p2 =	por !p2, p0  }
0x20: {  	[sflag:s8] =	ssyncset.s32 @!p0 $0xFFFFF086;
	s6 =	sadd.s32 @!p0 s3, s7;
	s7 =	simm.s32 @!p0 $0x108  }
0x21: {  	s3 =	sadd.s32 s3, s9;
	s6 =	sadd.s32 @!p0 $0x88, s6;
	s7 =	simm.s32 @p2 $0x1082  }
0x22: {  	[simem:s7], [sflag:s8] =	dma.local @!p0 [hbm:s6], $0xF7A  }
0x23: {  	s9 =	sor.u32 $0xD0000000, s2;
	s6 =	simm.s32 $0x108;
	_ =	swait.ge @!p0 [sflag:s8], $0x0  }
0x24: {  	s3 =	sadd.s32 $0x88, s3;
	s6 =	simm.s32 @!p1 $0x1082;
	[sflag:s4] =	ssyncset.s32 $0xFFFFF086  }
0x25: {  	[simem:s6], [sflag:s4] =	dma.local [hbm:s3], $0xF7A  }
0x26: {  	[smem:$0x3F9B] =	sst s1;
	(tag) =	ssettag s2;
	_ =	strace s9  }
0x27: {  	s1 =	sld [smem:$0x3FAB]  }
0x28: {  	s2 =	sld [smem:$0x3FAC]  }
0x29: {  	s4 =	sld [smem:$0x3FAE]  }
0x2a: {  	p0 =	seq.s32 s5, $0x0;
	s5 =	sld [smem:$0x3FAF]  }
0x2b: {  	s6 =	sld [smem:$0x3FB0]  }
0x2c: {  	s7 =	sld [smem:$0x3FB1]  }
0x2d: {  	s3 =	simm.s32 $0x108;
	s8 =	sld [smem:$0x3FB2]  }
0x2e: {  	s3 =	simm.s32 @!p0 $0x1082;
	s9 =	sld [smem:$0x3FB3]  }
0x2f: {  	lr =	sadd.s32 s0, s3;
	s0 =	sld [smem:$0x3FAA]  }
0x30: {  	s3 =	sld [smem:$0x3FAD]  }
0x31: {  	[smem:$0x3FB6] =	sst s10  }
0x32: {  	s10 =	sld [smem:$0x3FB4];
	_ =	sdelay $0x3  }
0x33: {  	p0 =	seq.s32 s10, $0x1;
	s10 =	sld [smem:$0x3FB6];
	_ =	sdelay $0x3  }
0x34: {  	[smem:$0x3FB6] =	sst s10  }
0x35: {  	s10 =	sld [smem:$0x3FB5];
	_ =	sdelay $0x3  }
0x36: {  	p1 =	seq.s32 s10, $0x1;
	s10 =	sld [smem:$0x3FB6];
	_ =	sdelay $0x3  }
0x37: {  	[smem:$0x3FB6] =	sst s10  }
0x38: {  	s10 =	sld [smem:$0x3FB7]  }
0x39: {  	_ = 	snop;
	(pc) =	sbr.ind lr, $3  }
0x3a: {  	_ = 	snop  }
0x3b: {  	_ = 	snop  }
0x3c: {  	p2 =	seq.s32 s10, $0x1;
	s10 =	sld [smem:$0x3FB6]  }
0x3d: {  	_ =	shalt  }
0x3e: {  	_ =	shalt  }
0x3f: {  	_ =	shalt  }
0x40: {  	_ =	shalt  }
0x41: {  	_ =	shalt  }
0x42: {  	_ =	shalt  }
0x43: {  	_ =	shalt  }
0x44: {  	_ =	shalt  }
0x45: {  	_ =	shalt  }
0x46: {  	_ =	shalt  }
0x47: {  	_ =	shalt  }
0x48: {  	_ =	shalt  }
0x49: {  	_ =	shalt  }
0x4a: {  	_ =	shalt  }
0x4b: {  	_ =	shalt  }
0x4c: {  	_ =	shalt  }
0x4d: {  	_ =	shalt  }
0x4e: {  	_ =	shalt  }
0x4f: {  	_ =	shalt  }
0x50: {  	_ =	shalt  }
0x51: {  	_ =	shalt  }
0x52: {  	_ =	shalt  }
0x53: {  	_ =	shalt  }
0x54: {  	_ =	shalt  }
0x55: {  	_ =	shalt  }
0x56: {  	_ =	shalt  }
0x57: {  	_ =	shalt  }
0x58: {  	_ =	shalt  }
0x59: {  	_ =	shalt  }
0x5a: {  	_ =	shalt  }
0x5b: {  	_ =	shalt  }
0x5c: {  	_ =	shalt  }
0x5d: {  	_ =	shalt  }
0x5e: {  	_ =	shalt  }
0x5f: {  	_ =	shalt  }
0x60: {  	_ =	shalt  }
0x61: {  	_ =	shalt  }
0x62: {  	_ =	shalt  }
0x63: {  	_ =	shalt  }
0x64: {  	_ =	shalt  }
0x65: {  	_ =	shalt  }
0x66: {  	_ =	shalt  }
0x67: {  	_ =	shalt  }
0x68: {  	_ =	shalt  }
0x69: {  	_ =	shalt  }
0x6a: {  	_ =	shalt  }
0x6b: {  	_ =	shalt  }
0x6c: {  	_ =	shalt  }
0x6d: {  	_ =	shalt  }
0x6e: {  	_ =	shalt  }
0x6f: {  	_ =	shalt  }
0x70: {  	_ =	shalt  }
0x71: {  	_ =	shalt  }
0x72: {  	_ =	shalt  }
0x73: {  	_ =	shalt  }
0x74: {  	_ =	shalt  }
0x75: {  	_ =	shalt  }
0x76: {  	_ =	shalt  }
0x77: {  	_ =	shalt  }
0x78: {  	_ =	shalt  }
0x79: {  	_ =	shalt  }
0x7a: {  	_ =	shalt  }
0x7b: {  	_ =	shalt  }
0x7c: {  	_ =	shalt  }
0x7d: {  	_ =	shalt  }
0x7e: {  	_ =	shalt  }
0x7f: {  	_ =	shalt  }
0x80: {  	_ =	shalt  }
0x81: {  	_ =	shalt  }
0x82: {  	_ =	shalt  }
0x83: {  	_ =	shalt  }
0x84: {  	_ =	shalt  }
0x85: {  	_ =	shalt  }
0x86: {  	_ =	shalt  }
0x87: {  	_ =	shalt  }
.Lfunc_end0:
.L_simem_size_0:
called_computation.2_lowered:
.L_overlay_start_0:
0x88: {  	s2 =	sld [smem:$0x3FD9]  }
0x89: {  	s3 =	sld [smem:$0x3FFE];
	_ =	sdelay $0x1  }
0x8a: {  	s1 =	srdreg.scid  }
0x8b: {  	s0 =	sand.u32 $0x1, s1  }
0x8c: {  	s17 =	sshll.u32 s0, $0xA;
	s2 =	sadd.s32 s3, s2  }
0x8d: {  	s2 =	sadd.s32 s2, s17  }
0x8e: {  	[smem:$0x3FC2] =	sst s2  }
0x8f: {  	_ = 	snop  }
0x90: {  	s2 =	sld [smem:$0x3FD0];
	(tm) =	ssettm $0x1  }
0x91: {  	s18 =	sld [smem:$0x3FFB];
	_ =	sdelay $0x3  }
0x92: {  	_ =	strace s18  }
0x93: {  	s3 =	sld [smem:$0x3FFC];
	_ =	sdelay $0x3  }
0x94: {  	_ =	strace s3  }
0x95: {  	s3 =	sld [smem:$0x3FFD];
	_ =	sdelay $0x3  }
0x96: {  	_ =	strace s3  }
0x97: {  	_ =	strace $0x8FFFFFFF  }
0x98: {  	s19 =	sld [smem:$0x3FDB];
	_ =	sdelay $0x1  }
0x99: {  	s4 =	simm.s32 $_scs_section_size  }
0x9a: {  	s5 =	simm.s32 $_size__tile_overlayer_lowered;
	s6 =	simm.s32 $_tile_overlayer_lowered  }
0x9b: {  	s22 =	simm.s32 $0x1BFF;
	s21 =	sshll.u32 s6, $0x1;
	s3 =	sadd.s32 s4, s19  }
0x9c: {  	s7 =	simm.s32 $0x0;
	s20 =	sshll.u32 s5, $0x1;
	s5 =	sadd.s32 s21, s3  }
0x9d: {  	[timem:s7], [sflag:s22] =	dma.local [hbm:s5], s20  }
0x9e: {  	_ =	swait.ge [sflag:s22], s20  }
0x9f: {  	s4 =	ssub.s32 $0x0, s20;
	[sflag:s22] =	ssyncset.done $0x0  }
0xa0: {  	[sflag:s22] =	ssyncadd.s32 s4;
	_ =	sdelay $0x1  }
0xa1: {  	s23 =	simm.s32 $0x1B8B  }
0xa2: {  	_ =	swait.ge [sflag:s23], $0x1  }
0xa3: {  	[sflag:s23] =	ssyncset.done $0x0  }
0xa4: {  	s25 =	simm.s32 $0x1B8E;
	s24 =	sld [smem:$0x3FFE];
	[sflag:s23] =	ssyncadd.s32 $0xFFFFFFFF  }
0xa5: {  	s26 =	simm.s32 $execute0_lowered;
	[smem:$0x3FD2] =	sst s25  }
0xa6: {  	s5 =	sshll.u32 s26, $0x1;
	_ =	strace $0x8000004C;
	[dreg:$0x1] =	wrdreg $0xFFFFFFFF  }
0xa7: {  	s28 =	simm.s32 $_size_execute0_lowered;
	s3 =	sadd.s32 s3, s5;
	[dreg:$0x0] =	wrdreg $0x0  }
0xa8: {  	s5 =	sshll.u32 s28, $0x1;
	[dreg:$0x2] =	wrdreg s3  }
0xa9: {  	[dreg:$0x3] =	wrdreg s5  }
0xaa: {  	[dreg:$0x4] =	wrdreg $0xC0  }
0xab: {  	_ =	task [dreg:s7], $0x5FFFF  }
0xac: {  	[dreg:$0x1] =	wrdreg $0xFFFFFFFF  }
0xad: {  	[dreg:$0x0] =	wrdreg $0x60  }
0xae: {  	[dreg:$0x2] =	wrdreg s24  }
0xaf: {  	[dreg:$0x3] =	wrdreg s2  }
0xb0: {  	[dreg:$0x4] =	wrdreg $0x29000  }
0xb1: {  	[dreg:$0x5] =	wrdreg $0x9  }
0xb2: {  	_ =	task.clear_ibuf [dreg:s7], $0x6FFFF;
	_ =	strace $0x9000004C  }
0xb3: {  	s29 =	simm.s32 $0x9;
	_ =	strace $0x8000004E  }
0xb4: {  	_ =	swait.ge [sflag:s29], $0x1  }
0xb5: {  	[sflag:s29] =	ssyncadd.s32 $0xFFFFFFFF  }
0xb6: {  	_ =	strace $0x9000004E  }
0xb7: {  	_ =	sfence  }
0xb8: {  	s30 =	sld [smem:$0x0];
	_ =	sdelay $0x2  }
0xb9: {  	s31 =	sshll.u32 s1, $0xD;
	s1 =	sshrl.u32 s1, $0x2  }
0xba: {  	s3 =	sand.u32 $0x4000, s31;
	s1 =	sadd.s32 s1, s30  }
0xbb: {  	s0 =	sor.u32 s3, s0;
	s1 =	sshll.u32 s1, $0x11  }
0xbc: {  	s0 =	sor.u32 s1, s0  }
0xbd: {  	s0 =	sadd.s32 $0x8F2B, s0  }
0xbe: {  	[sflag:s0] =	ssyncadd.remote.s32 $0x1  }
0xbf: {  	_ =	sfence.sel $0xFFFF  }
0xc0: {  	[dreg:$0x0] =	wrdreg $0xFFFFFFFF;
	(pc) =	sbr.abs _section_cstart, $3  }
0xc1: {  	[dreg:$0x1] =	wrdreg $0xFFFFFFFF  }
0xc2: {  	_ =	task.clear_ibuf [dreg:s7], $0x2FFFF;
	_ =	strace $0x9FFFFFFF  }
0xc3: {  	(tm) =	ssettm $0x7FFFFFFF  }
tec
execute0_lowered:
.L_overlay_start_1:
0x0: {  	(tag) =	ssettag $0x1  }
0x1: {  	s5 =	rddreg [dreg:$0x0]  }
0x2: {  	s10 =	rddreg [dreg:$0x1]  }
0x3: {  	s1 =	rddreg [dreg:$0x2];
	s2 =	srdreg.scid  }
0x4: {  	s0 =	rddreg [dreg:$0x3];
	s3 =	simm.s32 $0x0;
	s6 =	sand.u32 $0x1, s2  }
0x5: {  	s15 =	simm.s32 $0x100;
	s2 =	stileid.u32;
	s7 =	smul.u32 $0x27100, s6  }
0x6: {  	s16 =	simm.s32 $0x1;
	s17 =	simm.s32 $0x0;
	s8 =	smul.u32 $0x2710, s2  }
0x7: {  	[smem:$0x7FF] =	sst s3;
	s4 =	sadd.s32 $0x32600, s5;
	s9 =	smul.u32 $0x2780, s2  }
0x8: {  	_ =	strace $0x8000004D;
	s28 =	smul.u32 $0x27800, s6;
	s6 =	ssub.s32 $0x2, s6  }
0x9: {  	s29 =	smul.u32 $0x4F000, s2;
	s31 =	sshll.u32 s2, $0x6;
	s13 =	sshrl.u32 s6, $0x1  }
0xa: {  	s7 =	sadd.s32 s8, s7;
	s8 =	sadd.s32 s9, s28;
	s13 =	ssub.s32 s6, s13  }
0xb: {  	s30 =	sshrl.u32 s29, $0x2;
	s6 =	sor.u32 $0x1C02, s31;
	s11 =	sshrl.u32 s7, $0x3  }
0xc: {  	s8 =	sadd.s32 s8, s5;
	s14 =	sadd.s32 s30, s1;
	s12 =	sadd.s32 s11, s5  }
0xd: {  	s5 =	sadd.s32 s4, s9;
	s7 =	sadd.s32 $0x59E00, s8;
	s8 =	smax.u32 s13, $0x1  }
0xe: {  	s10 =	sadd.s32 s11, s10;
	s11 =	sshrl.u32 s14, $0x3;
	s13 =	simm.s32 $0x80  }
0xf: {  	s14 =	simm.s32 $0x50;
	s9 =	sadd.s32 $0x1600, s12;
	s12 =	simm.s32 $0x2  }
.LBB2_1:
0x10: {  	[spmem:s11], [sflag:s6] =	dma.local [hbm:s5], $0x2780  }
0x11: {  	_ =	swait.ge [sflag:s12], $0x2780  }
0x12: {  	[sflag:s12] =	ssyncset.done $0x0  }
0x13: {  	[sflag:s12] =	ssyncadd.s32 $0xFFFFD880  }
0x14: {  	s18 =	sadd.s32 $0x0, s10;
	[bflag:$0x0] =	sbarrier.arrive $0xFFFF  }
0x15: {  	[tilespmem:s3], [sflag:$0x2] =	stream.linear.gather [hbm4b:s18+s3], $0x50, $0x38;
	[tilespmem:$0x16500] =	vst v63  }
0x16: {  	_ =	swait.ge [sflag:s12], $0x50  }
0x17: {  	[sflag:s12] =	ssyncset.done $0x0  }
0x18: {  	s31 =	sadd.s32 $0x0, s9;
	[sflag:s12] =	ssyncadd.s32 $0xFFFFFFB0  }
0x19: {  	[tilespmem:s13], [sflag:$0x2] =	stream.linear.gather [hbm4b:s31+s3], $0x50, $0x38;
	[tilespmem:$0x16500] =	vst v63  }
0x1a: {  	_ =	swait.ge [sflag:s12], $0x50  }
0x1b: {  	[sflag:s12] =	ssyncset.done $0x0  }
0x1c: {  	[sflag:s12] =	ssyncadd.s32 $0xFFFFFFB0  }
0x1d: {  	[tilespmem:s15], [sflag:$0x1] =	stream.indirect.gather [hbm4b:s4+s14], $0x80, s3, s14, $0xb8;
	[tilespmem:$0x16500] =	vst v63  }
0x1e: {  	_ =	swait.ge [sflag:s16], $0x2800  }
0x1f: {  	[sflag:s16] =	ssyncset.done $0x0  }
0x20: {  	[sflag:s16] =	ssyncadd.s32 $0xFFFFD800  }
0x21: {  	[spmem:s1] =	stream.indirect.scatter.add.f32 [tilespmem:s15], [sflag:$0x2], $0x80, s13, s14, $0xb8;
	[tilespmem:$0x16500] =	vst v63  }
0x22: {  	_ =	swait.ge [sflag:s12], $0x2800  }
0x23: {  	s19 =	simm.s32 $0x14;
	s18 =	simm.s32 $0xA;
	[sflag:s12] =	ssyncset.done $0x0  }
.LBB2_2:
0x24: {  	s20 =	sadd.s32 s18, s10  }
0x25: {  	[sflag:s12] =	ssyncadd.s32 $0xFFFFD800;
	s21 =	smov.u32 s19;
	s22 =	sadd.s32 $0xA, s19  }
0x26: {  	[tilespmem:s3], [sflag:$0x2] =	stream.linear.gather [hbm4b:s20+s3], $0x50, $0x38;
	[tilespmem:$0x16500] =	vst v63  }
0x27: {  	p0 =	sne.s32 s19, $0x4D8;
	_ =	swait.ge [sflag:s12], $0x50  }
0x28: {  	[sflag:s12] =	ssyncset.done $0x0  }
0x29: {  	s19 =	sadd.s32 s18, s9;
	s18 =	smov.u32 s21;
	[sflag:s12] =	ssyncadd.s32 $0xFFFFFFB0  }
0x2a: {  	[tilespmem:s13], [sflag:$0x2] =	stream.linear.gather [hbm4b:s19+s3], $0x50, $0x38;
	[tilespmem:$0x16500] =	vst v63  }
0x2b: {  	_ =	swait.ge [sflag:s12], $0x50  }
0x2c: {  	[sflag:s12] =	ssyncset.done $0x0  }
0x2d: {  	[sflag:s12] =	ssyncadd.s32 $0xFFFFFFB0  }
0x2e: {  	[tilespmem:s15], [sflag:$0x1] =	stream.indirect.gather [hbm4b:s4+s14], $0x80, s3, s14, $0xb8;
	[tilespmem:$0x16500] =	vst v63  }
0x2f: {  	_ =	swait.ge [sflag:s16], $0x2800  }
.Ltmp0:
0x30: {  	[sflag:s16] =	ssyncset.done $0x0;
	(pc) =	sbr.rel @p0 .LBB2_2-.Ltmp0, $4  }
0x31: {  	[sflag:s16] =	ssyncadd.s32 $0xFFFFD800  }
0x32: {  	[spmem:s1] =	stream.indirect.scatter.add.f32 [tilespmem:s15], [sflag:$0x2], $0x80, s13, s14, $0xb8;
	[tilespmem:$0x16500] =	vst v63  }
0x33: {  	_ =	swait.ge [sflag:s12], $0x2800  }
0x34: {  	s19 =	smov.u32 s22;
	[sflag:s12] =	ssyncset.done $0x0  }
0x35: {  	s19 =	sadd.s32 s18, s10;
	[sflag:s12] =	ssyncadd.s32 $0xFFFFD800  }
0x36: {  	[tilespmem:s3], [sflag:$0x2] =	stream.linear.gather [hbm4b:s19+s3], $0x50, $0x38;
	[tilespmem:$0x16500] =	vst v63  }
0x37: {  	_ =	swait.ge [sflag:s12], $0x50  }
0x38: {  	[sflag:s12] =	ssyncset.done $0x0  }
0x39: {  	s31 =	sadd.s32 s18, s9;
	[sflag:s12] =	ssyncadd.s32 $0xFFFFFFB0  }
0x3a: {  	[tilespmem:s13], [sflag:$0x2] =	stream.linear.gather [hbm4b:s31+s3], $0x50, $0x38;
	[tilespmem:$0x16500] =	vst v63  }
0x3b: {  	_ =	swait.ge [sflag:s12], $0x50  }
0x3c: {  	[sflag:s12] =	ssyncset.done $0x0  }
0x3d: {  	[sflag:s12] =	ssyncadd.s32 $0xFFFFFFB0  }
0x3e: {  	[tilespmem:s15], [sflag:$0x1] =	stream.indirect.gather [hbm4b:s4+s14], $0x80, s3, s14, $0xb8;
	[tilespmem:$0x16500] =	vst v63  }
0x3f: {  	_ =	swait.ge [sflag:s16], $0x2800  }
0x40: {  	[sflag:s16] =	ssyncset.done $0x0  }
0x41: {  	[sflag:s16] =	ssyncadd.s32 $0xFFFFD800  }
0x42: {  	[spmem:s1] =	stream.indirect.scatter.add.f32 [tilespmem:s15], [sflag:$0x2], $0x80, s13, s14, $0xb8;
	[tilespmem:$0x16500] =	vst v63  }
0x43: {  	_ =	swait.ge [sflag:s12], $0x2800  }
0x44: {  	s17 =	sadd.s32 $0x1, s17;
	[sflag:s12] =	ssyncset.done $0x0  }
0x45: {  	p0 =	sne.s32 s17, s8;
	[sflag:s12] =	ssyncadd.s32 $0xFFFFD800  }
.Ltmp1:
0x46: {  	[bflag:$0x0] =	sbarrier.arrive $0xFFFF;
	(pc) =	sbr.rel @p0 .LBB2_1-.Ltmp1, $4  }
0x47: {  	[hbm:s7], [sflag:s6] =	dma.local [spmem:s11], $0x2780  }
0x48: {  	_ =	swait.ge [sflag:s12], $0x2780  }
0x49: {  	[sflag:s12] =	ssyncset.done $0x0  }
0x4a: {  	[sflag:s12] =	ssyncadd.s32 $0xFFFFD880  }
0x4b: {  	_ =	sfence.sel $0x180000  }
0x4c: {  	[bflag:$0x0] =	sbarrier.arrive $0xFFFF  }
0x4d: {  	p0 =	sne.s32 s2, $0x0;
	_ =	strace $0x9000004D  }
0x4e: {  	s0 =	sadd.s32 @!p0 $0x100000, s0;
	[bflag:$0x2] =	sbarrier.arrive $0xFFFF  }
0x4f: {  	[sflag:s0] =	ssyncadd.tile.s32 @!p0 $0x1;
	_ =	shalt  }
.Lfunc_end2:
_tile_overlayer_lowered:
.L_overlay_start_2:
0x50: {  	(tag) =	ssettag $0x2  }
0x51: {  	s0 =	rddreg [dreg:$0x0];
	s2 =	stileid.u32  }
0x52: {  	s1 =	rddreg [dreg:$0x1];
	p0 =	sne.s32 s2, $0x0  }
0x53: {  	s3 =	rddreg [dreg:$0x2];
	[bflag:$0x3] =	sbarrier.arrive $0xFFFF;
	s2 =	simm.s32 @!p0 $0x1C02  }
0x54: {  	[timem:s3], [sflag:s2] =	dma.local @!p0 [hbm:s0], s1  }
0x55: {  	s0 =	simm.s32 @!p0 $0x2  }
0x56: {  	_ =	swait.ge @!p0 [sflag:s0], s1  }
0x57: {  	s1 =	ssub.s32 @!p0 $0x0, s1;
	[sflag:s0] =	ssyncset.done @!p0 $0x0  }
0x58: {  	[sflag:s0] =	ssyncadd.s32 @!p0 s1  }
0x59: {  	[bflag:$0x3] =	sbarrier.arrive $0xFFFF  }
0x5a: {  	_ =	shalt  }

// kernel: kernel.8.cloned.1.call-start
scs
__scs_entry_jumppad:
0x0: {  	(pc) =	sbr.rel $0x88, $3  }
0x1: {  	(tag) =	ssettag $0x0;
	lr =	simm.s32 $0x1  }
0x2: {  	[smem:$0x3F9B] =	sst lr;
	_ =	strace $0xD0000000  }
0x3: {  	_ = 	snop  }
0x4: {  	_ = 	snop  }
0x5: {  	_ = 	snop  }
0x6: {  	_ = 	snop  }
0x7: {  	_ = 	snop  }
__scs_overlays_trampoline_lowered:
0x8: {  	[smem:$0x3FAA] =	sst s0  }
0x9: {  	[smem:$0x3FAB] =	sst s1  }
0xa: {  	[smem:$0x3FAC] =	sst s2  }
0xb: {  	[smem:$0x3FAD] =	sst s3  }
0xc: {  	[smem:$0x3FAE] =	sst s4  }
0xd: {  	[smem:$0x3FAF] =	sst s5  }
0xe: {  	[smem:$0x3FB0] =	sst s6  }
0xf: {  	[smem:$0x3FB1] =	sst s7  }
0x10: {  	[smem:$0x3FB2] =	sst s8  }
0x11: {  	[smem:$0x3FB3] =	sst s9;
	s0 =	simm.s32 @!p0 $0x0  }
0x12: {  	s1 =	sld [smem:$0x3F99];
	s0 =	simm.s32 @p0 $0x1  }
0x13: {  	[smem:$0x3FB4] =	sst s0;
	s0 =	simm.s32 @!p1 $0x0  }
0x14: {  	s2 =	sld [smem:$0x3F98];
	s0 =	simm.s32 @p1 $0x1  }
0x15: {  	[smem:$0x3FB5] =	sst s0;
	s0 =	simm.s32 @!p2 $0x0  }
0x16: {  	s3 =	sld [smem:$0x3FDB];
	s0 =	simm.s32 @p2 $0x1  }
0x17: {  	s4 =	simm.s32 $0x1BF5;
	[smem:$0x3FB7] =	sst s0  }
0x18: {  	s0 =	sld [smem:$0x3F9A];
	_ =	swait.ge [sflag:s4], $0x0  }
0x19: {  	s7 =	sld [smem:$0x3F9B]  }
0x1a: {  	s8 =	sadd.s32 $0xFFFFE003, lr  }
0x1b: {  	s9 =	sadd.s32 $0xFFFFFEF7, lr;
	s5 =	simm.s32 $0xFFFFFFFF;
	p2 =	slt.u32 s8, $0xFFFFF086  }
0x1c: {  	p1 =	slt.u32 s9, $0xF7A;
	s5 =	simm.s32 @!p2 $0x0  }
0x1d: {  	s5 =	simm.s32 @p1 $0x1;
	p0 =	seq.s32 s7, s2  }
0x1e: {  	s7 =	smul.u32 @!p0 $0xF7A, s2;
	p2 =	seq.s32 @!p0 s5, $0x0  }
0x1f: {  	s9 =	smul.u32 $0xF7A, s1;
	s8 =	simm.s32 @!p0 $0x1BF5;
	p2 =	por !p2, p0  }
0x20: {  	[sflag:s8] =	ssyncset.s32 @!p0 $0xFFFFF086;
	s6 =	sadd.s32 @!p0 s3, s7;
	s7 =	simm.s32 @!p0 $0x108  }
0x21: {  	s3 =	sadd.s32 s3, s9;
	s6 =	sadd.s32 @!p0 $0x88, s6;
	s7 =	simm.s32 @p2 $0x1082  }
0x22: {  	[simem:s7], [sflag:s8] =	dma.local @!p0 [hbm:s6], $0xF7A  }
0x23: {  	s9 =	sor.u32 $0xD0000000, s2;
	s6 =	simm.s32 $0x108;
	_ =	swait.ge @!p0 [sflag:s8], $0x0  }
0x24: {  	s3 =	sadd.s32 $0x88, s3;
	s6 =	simm.s32 @!p1 $0x1082;
	[sflag:s4] =	ssyncset.s32 $0xFFFFF086  }
0x25: {  	[simem:s6], [sflag:s4] =	dma.local [hbm:s3], $0xF7A  }
0x26: {  	[smem:$0x3F9B] =	sst s1;
	(tag) =	ssettag s2;
	_ =	strace s9  }
0x27: {  	s1 =	sld [smem:$0x3FAB]  }
0x28: {  	s2 =	sld [smem:$0x3FAC]  }
0x29: {  	s4 =	sld [smem:$0x3FAE]  }
0x2a: {  	p0 =	seq.s32 s5, $0x0;
	s5 =	sld [smem:$0x3FAF]  }
0x2b: {  	s6 =	sld [smem:$0x3FB0]  }
0x2c: {  	s7 =	sld [smem:$0x3FB1]  }
0x2d: {  	s3 =	simm.s32 $0x108;
	s8 =	sld [smem:$0x3FB2]  }
0x2e: {  	s3 =	simm.s32 @!p0 $0x1082;
	s9 =	sld [smem:$0x3FB3]  }
0x2f: {  	lr =	sadd.s32 s0, s3;
	s0 =	sld [smem:$0x3FAA]  }
0x30: {  	s3 =	sld [smem:$0x3FAD]  }
0x31: {  	[smem:$0x3FB6] =	sst s10  }
0x32: {  	s10 =	sld [smem:$0x3FB4];
	_ =	sdelay $0x3  }
0x33: {  	p0 =	seq.s32 s10, $0x1;
	s10 =	sld [smem:$0x3FB6];
	_ =	sdelay $0x3  }
0x34: {  	[smem:$0x3FB6] =	sst s10  }
0x35: {  	s10 =	sld [smem:$0x3FB5];
	_ =	sdelay $0x3  }
0x36: {  	p1 =	seq.s32 s10, $0x1;
	s10 =	sld [smem:$0x3FB6];
	_ =	sdelay $0x3  }
0x37: {  	[smem:$0x3FB6] =	sst s10  }
0x38: {  	s10 =	sld [smem:$0x3FB7]  }
0x39: {  	_ = 	snop;
	(pc) =	sbr.ind lr, $3  }
0x3a: {  	_ = 	snop  }
0x3b: {  	_ = 	snop  }
0x3c: {  	p2 =	seq.s32 s10, $0x1;
	s10 =	sld [smem:$0x3FB6]  }
0x3d: {  	_ =	shalt  }
0x3e: {  	_ =	shalt  }
0x3f: {  	_ =	shalt  }
0x40: {  	_ =	shalt  }
0x41: {  	_ =	shalt  }
0x42: {  	_ =	shalt  }
0x43: {  	_ =	shalt  }
0x44: {  	_ =	shalt  }
0x45: {  	_ =	shalt  }
0x46: {  	_ =	shalt  }
0x47: {  	_ =	shalt  }
0x48: {  	_ =	shalt  }
0x49: {  	_ =	shalt  }
0x4a: {  	_ =	shalt  }
0x4b: {  	_ =	shalt  }
0x4c: {  	_ =	shalt  }
0x4d: {  	_ =	shalt  }
0x4e: {  	_ =	shalt  }
0x4f: {  	_ =	shalt  }
0x50: {  	_ =	shalt  }
0x51: {  	_ =	shalt  }
0x52: {  	_ =	shalt  }
0x53: {  	_ =	shalt  }
0x54: {  	_ =	shalt  }
0x55: {  	_ =	shalt  }
0x56: {  	_ =	shalt  }
0x57: {  	_ =	shalt  }
0x58: {  	_ =	shalt  }
0x59: {  	_ =	shalt  }
0x5a: {  	_ =	shalt  }
0x5b: {  	_ =	shalt  }
0x5c: {  	_ =	shalt  }
0x5d: {  	_ =	shalt  }
0x5e: {  	_ =	shalt  }
0x5f: {  	_ =	shalt  }
0x60: {  	_ =	shalt  }
0x61: {  	_ =	shalt  }
0x62: {  	_ =	shalt  }
0x63: {  	_ =	shalt  }
0x64: {  	_ =	shalt  }
0x65: {  	_ =	shalt  }
0x66: {  	_ =	shalt  }
0x67: {  	_ =	shalt  }
0x68: {  	_ =	shalt  }
0x69: {  	_ =	shalt  }
0x6a: {  	_ =	shalt  }
0x6b: {  	_ =	shalt  }
0x6c: {  	_ =	shalt  }
0x6d: {  	_ =	shalt  }
0x6e: {  	_ =	shalt  }
0x6f: {  	_ =	shalt  }
0x70: {  	_ =	shalt  }
0x71: {  	_ =	shalt  }
0x72: {  	_ =	shalt  }
0x73: {  	_ =	shalt  }
0x74: {  	_ =	shalt  }
0x75: {  	_ =	shalt  }
0x76: {  	_ =	shalt  }
0x77: {  	_ =	shalt  }
0x78: {  	_ =	shalt  }
0x79: {  	_ =	shalt  }
0x7a: {  	_ =	shalt  }
0x7b: {  	_ =	shalt  }
0x7c: {  	_ =	shalt  }
0x7d: {  	_ =	shalt  }
0x7e: {  	_ =	shalt  }
0x7f: {  	_ =	shalt  }
0x80: {  	_ =	shalt  }
0x81: {  	_ =	shalt  }
0x82: {  	_ =	shalt  }
0x83: {  	_ =	shalt  }
0x84: {  	_ =	shalt  }
0x85: {  	_ =	shalt  }
0x86: {  	_ =	shalt  }
0x87: {  	_ =	shalt  }
.Lfunc_end0:
.L_simem_size_0:
called_computation_lowered:
.L_overlay_start_0:
0x88: {  	s2 =	sld [smem:$0x3FD9]  }
0x89: {  	s3 =	sld [smem:$0x3FFE];
	_ =	sdelay $0x1  }
0x8a: {  	s1 =	srdreg.scid  }
0x8b: {  	s0 =	sand.u32 $0x1, s1  }
0x8c: {  	s16 =	sshll.u32 s0, $0xA;
	s2 =	sadd.s32 s3, s2  }
0x8d: {  	s2 =	sadd.s32 s2, s16  }
0x8e: {  	[smem:$0x3FC2] =	sst s2  }
0x8f: {  	_ = 	snop  }
0x90: {  	(tm) =	ssettm $0x1  }
0x91: {  	s17 =	sld [smem:$0x3FFB];
	_ =	sdelay $0x3  }
0x92: {  	_ =	strace s17  }
0x93: {  	s2 =	sld [smem:$0x3FFC];
	_ =	sdelay $0x3  }
0x94: {  	_ =	strace s2  }
0x95: {  	s2 =	sld [smem:$0x3FFD];
	_ =	sdelay $0x3  }
0x96: {  	_ =	strace s2  }
0x97: {  	_ =	strace $0x8FFFFFFF  }
0x98: {  	s18 =	sld [smem:$0x3FDB];
	_ =	sdelay $0x1  }
0x99: {  	s19 =	simm.s32 $_scs_section_size  }
0x9a: {  	s4 =	simm.s32 $_size__tile_overlayer_lowered;
	s5 =	simm.s32 $_tile_overlayer_lowered  }
0x9b: {  	s22 =	simm.s32 $0x1BFF;
	s21 =	sshll.u32 s5, $0x1;
	s2 =	sadd.s32 s19, s18  }
0x9c: {  	s6 =	simm.s32 $0x0;
	s20 =	sshll.u32 s4, $0x1;
	s4 =	sadd.s32 s21, s2  }
0x9d: {  	[timem:s6], [sflag:s22] =	dma.local [hbm:s4], s20  }
0x9e: {  	_ =	swait.ge [sflag:s22], s20  }
0x9f: {  	s3 =	ssub.s32 $0x0, s20;
	[sflag:s22] =	ssyncset.done $0x0  }
0xa0: {  	[sflag:s22] =	ssyncadd.s32 s3;
	_ =	sdelay $0x1  }
0xa1: {  	s23 =	simm.s32 $0x1B8B  }
0xa2: {  	_ =	swait.ge [sflag:s23], $0x1  }
0xa3: {  	[sflag:s23] =	ssyncset.done $0x0  }
0xa4: {  	s25 =	simm.s32 $0x1B8E;
	s24 =	sld [smem:$0x3FFE];
	[sflag:s23] =	ssyncadd.s32 $0xFFFFFFFF  }
0xa5: {  	s26 =	simm.s32 $execute0_lowered;
	[smem:$0x3FD2] =	sst s25  }
0xa6: {  	s4 =	sshll.u32 s26, $0x1;
	_ =	strace $0x80000046;
	[dreg:$0x1] =	wrdreg $0xFFFFFFFF  }
0xa7: {  	s28 =	simm.s32 $_size_execute0_lowered;
	s2 =	sadd.s32 s2, s4;
	[dreg:$0x0] =	wrdreg $0x0  }
0xa8: {  	s4 =	sshll.u32 s28, $0x1;
	[dreg:$0x2] =	wrdreg s2  }
0xa9: {  	[dreg:$0x3] =	wrdreg s4  }
0xaa: {  	[dreg:$0x4] =	wrdreg $0xC0  }
0xab: {  	_ =	task [dreg:s6], $0x5FFFF  }
0xac: {  	[dreg:$0x1] =	wrdreg $0xFFFFFFFF  }
0xad: {  	[dreg:$0x0] =	wrdreg $0x60  }
0xae: {  	[dreg:$0x2] =	wrdreg s24  }
0xaf: {  	[dreg:$0x3] =	wrdreg $0x28800  }
0xb0: {  	[dreg:$0x4] =	wrdreg $0x9  }
0xb1: {  	_ =	task.clear_ibuf [dreg:s6], $0x5FFFF;
	_ =	strace $0x90000046  }
0xb2: {  	s29 =	simm.s32 $0x9;
	_ =	strace $0x80000048  }
0xb3: {  	_ =	swait.ge [sflag:s29], $0x1  }
0xb4: {  	[sflag:s29] =	ssyncadd.s32 $0xFFFFFFFF  }
0xb5: {  	_ =	strace $0x90000048  }
0xb6: {  	_ =	sfence  }
0xb7: {  	s30 =	sld [smem:$0x0];
	_ =	sdelay $0x2  }
0xb8: {  	s31 =	sshll.u32 s1, $0xD;
	s1 =	sshrl.u32 s1, $0x2  }
0xb9: {  	s3 =	sand.u32 $0x4000, s31;
	s1 =	sadd.s32 s1, s30  }
0xba: {  	s0 =	sor.u32 s3, s0;
	s1 =	sshll.u32 s1, $0x11  }
0xbb: {  	s0 =	sor.u32 s1, s0  }
0xbc: {  	s0 =	sadd.s32 $0x8F2B, s0  }
0xbd: {  	[sflag:s0] =	ssyncadd.remote.s32 $0x1  }
0xbe: {  	_ =	sfence.sel $0xFFFF  }
0xbf: {  	[dreg:$0x0] =	wrdreg $0xFFFFFFFF;
	(pc) =	sbr.abs _section_cstart, $3  }
0xc0: {  	[dreg:$0x1] =	wrdreg $0xFFFFFFFF  }
0xc1: {  	_ =	task.clear_ibuf [dreg:s6], $0x2FFFF;
	_ =	strace $0x9FFFFFFF  }
0xc2: {  	(tm) =	ssettm $0x7FFFFFFF  }
0xc3: {  	_ =	shalt  }
tec
execute0_lowered:
.L_overlay_start_1:
0x0: {  	(tag) =	ssettag $0x1  }
0x1: {  	s5 =	rddreg [dreg:$0x0]  }
0x2: {  	s1 =	rddreg [dreg:$0x1];
	s2 =	srdreg.scid  }
0x3: {  	s0 =	rddreg [dreg:$0x2];
	s3 =	simm.s32 $0x0;
	s6 =	sand.u32 $0x1, s2  }
0x4: {  	s12 =	simm.s32 $0x80;
	s2 =	stileid.u32;
	s7 =	smul.u32 $0x27100, s6  }
0x5: {  	s13 =	simm.s32 $0x50;
	s14 =	simm.s32 $0x0;
	s8 =	smul.u32 $0x2710, s2  }
0x6: {  	[smem:$0x7FF] =	sst s3;
	s4 =	sadd.s32 $0xB400, s5;
	s9 =	smul.u32 $0x2780, s2  }
0x7: {  	_ =	strace $0x80000047;
	s26 =	smul.u32 $0x27800, s6;
	s6 =	ssub.s32 $0x2, s6  }
0x8: {  	s10 =	smul.u32 $0x4F000, s2;
	s31 =	sshll.u32 s2, $0x6;
	s29 =	sshrl.u32 s6, $0x1  }
0x9: {  	s7 =	sadd.s32 s8, s7;
	s28 =	sadd.s32 s9, s26;
	s8 =	ssub.s32 s6, s29  }
0xa: {  	s30 =	sshrl.u32 s10, $0x2;
	s6 =	sor.u32 $0x1C01, s31;
	s7 =	sshrl.u32 s7, $0x3  }
0xb: {  	s10 =	sadd.s32 s30, s1;
	s8 =	smax.u32 s8, $0x1;
	s11 =	sadd.s32 s7, s5  }
0xc: {  	s7 =	sadd.s32 s28, s5;
	s5 =	sadd.s32 s4, s9;
	s10 =	sshrl.u32 s10, $0x3  }
0xd: {  	s7 =	sadd.s32 $0x32C00, s7;
	s9 =	sadd.s32 $0x1600, s11;
	s11 =	simm.s32 $0x1  }
.LBB2_1:
0xe: {  	[spmem:s10], [sflag:s6] =	dma.local [hbm:s5], $0x2780  }
0xf: {  	_ =	swait.ge [sflag:s11], $0x2780  }
0x10: {  	[sflag:s11] =	ssyncset.done $0x0  }
0x11: {  	[sflag:s11] =	ssyncadd.s32 $0xFFFFD880  }
0x12: {  	[tilespmem:s12], [sflag:$0x1] =	stream.linear.gather [hbm4b:s4+s3], $0x2800, $0x38;
	[tilespmem:$0x3C40] =	vst v63  }
0x13: {  	_ =	swait.ge [sflag:s11], $0x2800  }
0x14: {  	[sflag:s11] =	ssyncset.done $0x0  }
0x15: {  	[sflag:s11] =	ssyncadd.s32 $0xFFFFD800  }
0x16: {  	s15 =	sadd.s32 $0x0, s9;
	[bflag:$0x0] =	sbarrier.arrive $0xFFFF  }
0x17: {  	[tilespmem:s3], [sflag:$0x1] =	stream.linear.gather [hbm4b:s15+s3], $0x50, $0x38;
	[tilespmem:$0x3C40] =	vst v63  }
0x18: {  	_ =	swait.ge [sflag:s11], $0x50  }
0x19: {  	[sflag:s11] =	ssyncset.done $0x0  }
0x1a: {  	[sflag:s11] =	ssyncadd.s32 $0xFFFFFFB0  }
0x1b: {  	[spmem:s1] =	stream.indirect.scatter.add.f32 [tilespmem:s12], [sflag:$0x1], $0x8, s3, s13, $0xb8;
	[tilespmem:$0x3C40] =	vst v63  }
0x1c: {  	_ =	swait.ge [sflag:s11], $0x280  }
0x1d: {  	s16 =	simm.s32 $0x14;
	s15 =	simm.s32 $0xA;
	[sflag:s11] =	ssyncset.done $0x0  }
.LBB2_2:
0x1e: {  	s17 =	sadd.s32 s15, s9  }
0x1f: {  	[sflag:s11] =	ssyncadd.s32 $0xFFFFFD80;
	s15 =	smov.u32 s16;
	s18 =	sadd.s32 $0xA, s16  }
0x20: {  	[tilespmem:s3], [sflag:$0x1] =	stream.linear.gather [hbm4b:s17+s3], $0x50, $0x38;
	[tilespmem:$0x3C40] =	vst v63  }
0x21: {  	p0 =	sne.s32 s16, $0x4D8;
	_ =	swait.ge [sflag:s11], $0x50  }
.Ltmp0:
0x22: {  	[sflag:s11] =	ssyncset.done $0x0;
	(pc) =	sbr.rel @p0 .LBB2_2-.Ltmp0, $4  }
0x23: {  	[sflag:s11] =	ssyncadd.s32 $0xFFFFFFB0  }
0x24: {  	[spmem:s1] =	stream.indirect.scatter.add.f32 [tilespmem:s12], [sflag:$0x1], $0x8, s3, s13, $0xb8;
	[tilespmem:$0x3C40] =	vst v63  }
0x25: {  	_ =	swait.ge [sflag:s11], $0x280  }
0x26: {  	s16 =	smov.u32 s18;
	[sflag:s11] =	ssyncset.done $0x0  }
0x27: {  	s15 =	sadd.s32 s15, s9;
	[sflag:s11] =	ssyncadd.s32 $0xFFFFFD80  }
0x28: {  	[tilespmem:s3], [sflag:$0x1] =	stream.linear.gather [hbm4b:s15+s3], $0x50, $0x38;
	[tilespmem:$0x3C40] =	vst v63  }
0x29: {  	_ =	swait.ge [sflag:s11], $0x50  }
0x2a: {  	[sflag:s11] =	ssyncset.done $0x0  }
0x2b: {  	[sflag:s11] =	ssyncadd.s32 $0xFFFFFFB0  }
0x2c: {  	[spmem:s1] =	stream.indirect.scatter.add.f32 [tilespmem:s12], [sflag:$0x1], $0x8, s3, s13, $0xb8;
	[tilespmem:$0x3C40] =	vst v63  }
0x2d: {  	_ =	swait.ge [sflag:s11], $0x280  }
0x2e: {  	s14 =	sadd.s32 $0x1, s14;
	[sflag:s11] =	ssyncset.done $0x0  }
0x2f: {  	p0 =	sne.s32 s14, s8;
	[sflag:s11] =	ssyncadd.s32 $0xFFFFFD80  }
.Ltmp1:
0x30: {  	[bflag:$0x0] =	sbarrier.arrive $0xFFFF;
	(pc) =	sbr.rel @p0 .LBB2_1-.Ltmp1, $4  }
0x31: {  	[hbm:s7], [sflag:s6] =	dma.local [spmem:s10], $0x2780  }
0x32: {  	_ =	swait.ge [sflag:s11], $0x2780  }
0x33: {  	[sflag:s11] =	ssyncset.done $0x0  }
0x34: {  	[sflag:s11] =	ssyncadd.s32 $0xFFFFD880  }
0x35: {  	_ =	sfence.sel $0x180000  }
0x36: {  	[bflag:$0x0] =	sbarrier.arrive $0xFFFF  }
0x37: {  	p0 =	sne.s32 s2, $0x0;
	_ =	strace $0x90000047  }
0x38: {  	s0 =	sadd.s32 @!p0 $0x100000, s0;
	[bflag:$0x2] =	sbarrier.arrive $0xFFFF  }
0x39: {  	[sflag:s0] =	ssyncadd.tile.s32 @!p0 $0x1;
	_ =	shalt  }
.Lfunc_end2:
_tile_overlayer_lowered:
.L_overlay_start_2:
0x3a: {  	(tag) =	ssettag $0x2  }
0x3b: {  	s0 =	rddreg [dreg:$0x0];
	s2 =	stileid.u32  }
0x3c: {  	s1 =	rddreg [dreg:$0x1];
	p0 =	sne.s32 s2, $0x0  }
0x3d: {  	s3 =	rddreg [dreg:$0x2];
	[bflag:$0x3] =	sbarrier.arrive $0xFFFF;
	s2 =	simm.s32 @!p0 $0x1C01  }
0x3e: {  	[timem:s3], [sflag:s2] =	dma.local @!p0 [hbm:s0], s1  }
0x3f: {  	s0 =	simm.s32 @!p0 $0x1  }
0x40: {  	_ =	swait.ge @!p0 [sflag:s0], s1  }
0x41: {  	s1 =	ssub.s32 @!p0 $0x0, s1;
	[sflag:s0] =	ssyncset.done @!p0 $0x0  }
0x42: {  	[sflag:s0] =	ssyncadd.s32 @!p0 s1  }
0x43: {  	[bflag:$0x3] =	sbarrier.arrive $0xFFFF  }
0x44: {  	_ =	shalt  }

</sc_bundles>
